<compile_context>
chip_gen: v7x
topology: tpu7x:2x2x1
jax: 0.10.2.dev20260603
libtpu: 0.0.44.dev20260713+nightly
codegen_flags: <defaults>
</compile_context>

<pallas_src>
import functools
import jax
import jax.numpy as jnp
from jax import lax
from jax.experimental import pallas as pl
from jax.experimental.pallas import tpu as pltpu
from jax.experimental.pallas import tpu_sc as plsc

_C = 256
_NG = _C // 16
_CH = 96
_HPC = _CH // 48


def _sc_body(x_hbm, t_hbm, h_hbm, w_hbm, out_hbm,
             hbuf, wbuf, tbuf, posb, buf0, buf1, sem0, sem1):
    cid = lax.axis_index("c")
    sid = lax.axis_index("s")
    wid = sid * 2 + cid
    t = wid % 16
    bbase = (wid // 16) * 4

    pltpu.sync_copy(h_hbm, hbuf)
    pltpu.sync_copy(w_hbm, wbuf)
    pltpu.sync_copy(t_hbm.at[pl.ds(t, 1)], tbuf)

    bufs = (buf0, buf1)
    sems = (sem0, sem1)

    def chunk_body(ci, carry):
        h0 = ci * _HPC
        row0 = ci * _CH

        def prow(r, c2):
            hr = h0 + r // 48
            wr = r % 48
            for g in range(_NG):
                sl = pl.ds(g * 16, 16)
                posb[r, sl] = tbuf[0, sl] + hbuf[hr, sl] + wbuf[wr, sl]
            return c2

        lax.fori_loop(0, _CH, prow, 0)

        def plane(b):
            return (bbase + b) * 16 + t

        handles = [None, None]
        handles[0] = pltpu.async_copy(
            x_hbm.at[plane(0), pl.ds(row0, _CH)], buf0, sem0)
        for b in range(4):
            cur = b % 2
            nxt = (b + 1) % 2
            if b < 3:
                handles[nxt] = pltpu.async_copy(
                    x_hbm.at[plane(b + 1), pl.ds(row0, _CH)],
                    bufs[nxt], sems[nxt])
            handles[cur].wait()

            def crow(r, c2, _buf=bufs[cur]):
                for g in range(_NG):
                    sl = pl.ds(g * 16, 16)
                    _buf[r, sl] = _buf[r, sl] + posb[r, sl]
                return c2

            lax.fori_loop(0, _CH, crow, 0)
            pltpu.sync_copy(bufs[cur], out_hbm.at[plane(b), pl.ds(row0, _CH)])
        return carry

    lax.fori_loop(0, 2304 // _CH, chunk_body, 0)


def kernel(x, T_embed, H_embed, W_embed):
    B, T, H, W, C = x.shape
    xf = x.reshape(B * T, H * W, C)
    mesh = plsc.VectorSubcoreMesh(core_axis_name="c", subcore_axis_name="s")
    run = functools.partial(
        pl.kernel,
        mesh=mesh,
        out_type=jax.ShapeDtypeStruct(xf.shape, xf.dtype),
        scratch_types=[
            pltpu.VMEM((H, C), jnp.float32),
            pltpu.VMEM((W, C), jnp.float32),
            pltpu.VMEM((1, C), jnp.float32),
            pltpu.VMEM((_CH, C), jnp.float32),
            pltpu.VMEM((_CH, C), jnp.float32),
            pltpu.VMEM((_CH, C), jnp.float32),
            pltpu.SemaphoreType.DMA,
            pltpu.SemaphoreType.DMA,
        ],
    )(_sc_body)
    out = run(xf, T_embed[:T], H_embed[:H], W_embed[:W])
    return out.reshape(B, T, H, W, C)

# --- scband reference (transcript-rebuilt; emitter-appended) ---
"""Pipeline reference for scband-pos-embed-3143916061399 (READ-ONLY COPY).

The authoritative reference and input builder live on the scoring server;
editing this copy changes nothing except your own understanding.
"""

import jax, jax.numpy as jnp
import numpy as np

EMBED_DIM = 256
MAX_T = 32
MAX_H = 64
MAX_W = 64

def setup_inputs(seed: int = 0) -> dict:
    key = jax.random.key(seed)
    k_x, k_t, k_h, k_w = jax.random.split(key, 4)
    x = jax.random.normal(k_x, (8, 16, 48, 48, EMBED_DIM), dtype=jnp.float32)
    # embed_mode='0' initializes embedding weights to zeros in the original code;
    # use small random values here so the op is numerically non-trivial.
    T_embed = jax.random.normal(k_t, (MAX_T, EMBED_DIM), dtype=jnp.float32) * 0.02
    H_embed = jax.random.normal(k_h, (MAX_H, EMBED_DIM), dtype=jnp.float32) * 0.02
    W_embed = jax.random.normal(k_w, (MAX_W, EMBED_DIM), dtype=jnp.float32) * 0.02
    return {"x": x, "T_embed": T_embed, "H_embed": H_embed, "W_embed": W_embed}

def reference(x, T_embed, H_embed, W_embed):
    # typ == 't+h+w'
    _, T, H, W, C = x.shape
    t_idx = jnp.arange(T)
    h_idx = jnp.arange(H)
    w_idx = jnp.arange(W)
    t_emb = jnp.take(T_embed, t_idx, axis=0).reshape(T, 1, 1, C)
    h_emb = jnp.take(H_embed, h_idx, axis=0).reshape(1, H, 1, C)
    w_emb = jnp.take(W_embed, w_idx, axis=0).reshape(1, 1, W, C)
    return x + t_emb + h_emb + w_emb

if __name__ == "__main__":
    import jax
    _d = setup_inputs()
    print(jax.jit(kernel)(*tuple(_d.values())))

</pallas_src>

<mosaic_0001>
#map = affine_map<(d0, d1) -> (0, 0, 0)>
#map1 = affine_map<(d0, d1) -> (0, 0)>
module attributes {stable_mosaic.version = 14 : i64} {
  func.func @_sc_body(%arg0: i32, %arg1: i32, %arg2: memref<128x2304x256xf32, #tpu.memory_space<hbm>>, %arg3: memref<16x256xf32, #tpu.memory_space<hbm>>, %arg4: memref<48x256xf32, #tpu.memory_space<hbm>>, %arg5: memref<48x256xf32, #tpu.memory_space<hbm>>, %arg6: memref<128x2304x256xf32, #tpu.memory_space<hbm>>, %arg7: memref<48x256xf32, #tpu.memory_space<vmem>>, %arg8: memref<48x256xf32, #tpu.memory_space<vmem>>, %arg9: memref<1x256xf32, #tpu.memory_space<vmem>>, %arg10: memref<96x256xf32, #tpu.memory_space<vmem>>, %arg11: memref<96x256xf32, #tpu.memory_space<vmem>>, %arg12: memref<96x256xf32, #tpu.memory_space<vmem>>, %arg13: memref<!tpu.dma_semaphore, #tpu.memory_space<semaphore_mem>>, %arg14: memref<!tpu.dma_semaphore, #tpu.memory_space<semaphore_mem>>) attributes {dimension_semantics = [#tpu.dimension_semantics<core_parallel>, #tpu.dimension_semantics<subcore_parallel>], iteration_bounds = array<i64: 2, 16>, scalar_prefetch = 0 : i64, scratch_operands = 8 : i64, tpu.core_type = #tpu.core_type<sc_vector_subcore>, window_params = [{transform_indices = #map}, {transform_indices = #map1}, {transform_indices = #map1}, {transform_indices = #map1}, {transform_indices = #map}]} {
    %mul3A = arith.constant 2 : i32
    %mul3A_0 = arith.muli %arg1, %mul3A : i32
    %add3A = arith.addi %mul3A_0, %arg0 : i32
    %jit3A = arith.constant 16 : i32
    %eq3A = arith.constant 0 : i32
    %eq3A_1 = arith.cmpi eq, %jit3A, %eq3A : i32
    %jit3A_2 = arith.constant 1 : i32
    %select_n3A = arith.select %eq3A_1, %jit3A_2, %jit3A : i32
    %rem3A = arith.remsi %add3A, %select_n3A : i32
    %ne3A = arith.constant 0 : i32
    %ne3A_3 = arith.cmpi ne, %rem3A, %ne3A : i32
    %lt3A = arith.constant 0 : i32
    %lt3A_4 = arith.cmpi slt, %rem3A, %lt3A : i32
    %lt3A_5 = arith.constant 0 : i32
    %lt3A_6 = arith.cmpi slt, %select_n3A, %lt3A_5 : i32
    %ne3A_7 = arith.xori %lt3A_4, %lt3A_6 : i1
    %and3A = arith.andi %ne3A_7, %ne3A_3 : i1
    %add3A_8 = arith.addi %rem3A, %select_n3A : i32
    %select_n3A_9 = arith.select %and3A, %add3A_8, %rem3A : i32
    %jit3A_10 = arith.constant 16 : i32
    %div3A = arith.divsi %add3A, %jit3A_10 : i32
    %sign3A = arith.constant 0 : i32
    %sign3A_11 = arith.cmpi sgt, %add3A, %sign3A : i32
    %sign3A_12 = arith.extui %sign3A_11 : i1 to i32
    %sign3A_13 = arith.constant 0 : i32
    %sign3A_14 = arith.cmpi slt, %add3A, %sign3A_13 : i32
    %sign3A_15 = arith.extui %sign3A_14 : i1 to i32
    %sign3A_16 = arith.subi %sign3A_12, %sign3A_15 : i32
    %sign3A_17 = arith.constant 0 : i32
    %sign3A_18 = arith.cmpi sgt, %jit3A_10, %sign3A_17 : i32
    %sign3A_19 = arith.extui %sign3A_18 : i1 to i32
    %sign3A_20 = arith.constant 0 : i32
    %sign3A_21 = arith.cmpi slt, %jit3A_10, %sign3A_20 : i32
    %sign3A_22 = arith.extui %sign3A_21 : i1 to i32
    %sign3A_23 = arith.subi %sign3A_19, %sign3A_22 : i32
    %ne3A_24 = arith.cmpi ne, %sign3A_16, %sign3A_23 : i32
    %rem3A_25 = arith.remsi %add3A, %jit3A_10 : i32
    %ne3A_26 = arith.constant 0 : i32
    %ne3A_27 = arith.cmpi ne, %rem3A_25, %ne3A_26 : i32
    %and3A_28 = arith.andi %ne3A_24, %ne3A_27 : i1
    %sub3A = arith.constant 1 : i32
    %sub3A_29 = arith.subi %div3A, %sub3A : i32
    %select_n3A_30 = arith.select %and3A_28, %sub3A_29, %div3A : i32
    %mul3A_31 = arith.constant 4 : i32
    %mul3A_32 = arith.muli %select_n3A_30, %mul3A_31 : i32
    "tpu.region"() ({
      %run_scoped3A = tpu.sem_alloc : memref<!tpu.dma_semaphore, #tpu.memory_space<semaphore_mem>>
      tpu.enqueue_dma source(%arg4 : memref<48x256xf32, #tpu.memory_space<hbm>>) target(%arg7 : memref<48x256xf32, #tpu.memory_space<vmem>>) target_semaphore(%run_scoped3A : memref<!tpu.dma_semaphore, #tpu.memory_space<semaphore_mem>>)
      tpu.wait_dma2 semaphore(%run_scoped3A : memref<!tpu.dma_semaphore, #tpu.memory_space<semaphore_mem>>) src(%arg4 : memref<48x256xf32, #tpu.memory_space<hbm>>) dst(%arg7 : memref<48x256xf32, #tpu.memory_space<vmem>>)
      tpu.yield
    }) : () -> ()
    "tpu.region"() ({
      %run_scoped3A = tpu.sem_alloc : memref<!tpu.dma_semaphore, #tpu.memory_space<semaphore_mem>>
      tpu.enqueue_dma source(%arg5 : memref<48x256xf32, #tpu.memory_space<hbm>>) target(%arg8 : memref<48x256xf32, #tpu.memory_space<vmem>>) target_semaphore(%run_scoped3A : memref<!tpu.dma_semaphore, #tpu.memory_space<semaphore_mem>>)
      tpu.wait_dma2 semaphore(%run_scoped3A : memref<!tpu.dma_semaphore, #tpu.memory_space<semaphore_mem>>) src(%arg5 : memref<48x256xf32, #tpu.memory_space<hbm>>) dst(%arg8 : memref<48x256xf32, #tpu.memory_space<vmem>>)
      tpu.yield
    }) : () -> ()
    "tpu.region"() ({
      %run_scoped3A = tpu.sem_alloc : memref<!tpu.dma_semaphore, #tpu.memory_space<semaphore_mem>>
      %dma_start3A = arith.constant 0 : i32
      %dma_start3A_38 = tpu.memref_slice %arg3[%select_n3A_9, %dma_start3A] : memref<16x256xf32, #tpu.memory_space<hbm>> -> memref<1x256xf32, #tpu.memory_space<hbm>>
      %dma_start3A_39 = arith.constant 0 : i32
      %dma_start3A_40 = tpu.memref_slice %arg3[%select_n3A_9, %dma_start3A_39] : memref<16x256xf32, #tpu.memory_space<hbm>> -> memref<1x256xf32, #tpu.memory_space<hbm>>
      tpu.enqueue_dma source(%dma_start3A_40 : memref<1x256xf32, #tpu.memory_space<hbm>>) target(%arg9 : memref<1x256xf32, #tpu.memory_space<vmem>>) target_semaphore(%run_scoped3A : memref<!tpu.dma_semaphore, #tpu.memory_space<semaphore_mem>>)
      %dma_wait3A = arith.constant 0 : i32
      %dma_wait3A_41 = tpu.memref_slice %arg3[%select_n3A_9, %dma_wait3A] : memref<16x256xf32, #tpu.memory_space<hbm>> -> memref<1x256xf32, #tpu.memory_space<hbm>>
      %dma_wait3A_42 = arith.constant 0 : i32
      %dma_wait3A_43 = tpu.memref_slice %arg3[%select_n3A_9, %dma_wait3A_42] : memref<16x256xf32, #tpu.memory_space<hbm>> -> memref<1x256xf32, #tpu.memory_space<hbm>>
      tpu.wait_dma2 semaphore(%run_scoped3A : memref<!tpu.dma_semaphore, #tpu.memory_space<semaphore_mem>>) src(%dma_wait3A_43 : memref<1x256xf32, #tpu.memory_space<hbm>>) dst(%arg9 : memref<1x256xf32, #tpu.memory_space<vmem>>)
      tpu.yield
    }) : () -> ()
    %scan3A = arith.constant 0 : i32
    %scan3A_33 = arith.constant 0 : i32
    %scan3A_34 = arith.constant 24 : i32
    %scan3A_35 = arith.addi %scan3A_33, %scan3A_34 : i32
    %scan3A_36 = arith.constant 1 : i32
    scf.for %scan3A_38 = %scan3A_33 to %scan3A_35 step %scan3A_36  : i32 {
      %mul3A_39 = arith.constant 2 : i32
      %mul3A_40 = arith.muli %scan3A_38, %mul3A_39 : i32
      %mul3A_41 = arith.constant 96 : i32
      %mul3A_42 = arith.muli %scan3A_38, %mul3A_41 : i32
      %scan3A_43 = arith.constant 0 : i32
      %scan3A_44 = arith.constant 0 : i32
      %scan3A_45 = arith.constant 96 : i32
      %scan3A_46 = arith.addi %scan3A_44, %scan3A_45 : i32
      %scan3A_47 = arith.constant 1 : i32
      scf.for %scan3A_159 = %scan3A_44 to %scan3A_46 step %scan3A_47  : i32 {
        %jit3A_160 = arith.constant 48 : i32
        %div3A_161 = arith.divsi %scan3A_159, %jit3A_160 : i32
        %sign3A_162 = arith.constant 0 : i32
        %sign3A_163 = arith.cmpi sgt, %scan3A_159, %sign3A_162 : i32
        %sign3A_164 = arith.extui %sign3A_163 : i1 to i32
        %sign3A_165 = arith.constant 0 : i32
        %sign3A_166 = arith.cmpi slt, %scan3A_159, %sign3A_165 : i32
        %sign3A_167 = arith.extui %sign3A_166 : i1 to i32
        %sign3A_168 = arith.subi %sign3A_164, %sign3A_167 : i32
        %sign3A_169 = arith.constant 0 : i32
        %sign3A_170 = arith.cmpi sgt, %jit3A_160, %sign3A_169 : i32
        %sign3A_171 = arith.extui %sign3A_170 : i1 to i32
        %sign3A_172 = arith.constant 0 : i32
        %sign3A_173 = arith.cmpi slt, %jit3A_160, %sign3A_172 : i32
        %sign3A_174 = arith.extui %sign3A_173 : i1 to i32
        %sign3A_175 = arith.subi %sign3A_171, %sign3A_174 : i32
        %ne3A_176 = arith.cmpi ne, %sign3A_168, %sign3A_175 : i32
        %rem3A_177 = arith.remsi %scan3A_159, %jit3A_160 : i32
        %ne3A_178 = arith.constant 0 : i32
        %ne3A_179 = arith.cmpi ne, %rem3A_177, %ne3A_178 : i32
        %and3A_180 = arith.andi %ne3A_176, %ne3A_179 : i1
        %sub3A_181 = arith.constant 1 : i32
        %sub3A_182 = arith.subi %div3A_161, %sub3A_181 : i32
        %select_n3A_183 = arith.select %and3A_180, %sub3A_182, %div3A_161 : i32
        %add3A_184 = arith.addi %mul3A_40, %select_n3A_183 : i32
        %jit3A_185 = arith.constant 48 : i32
        %eq3A_186 = arith.constant 0 : i32
        %eq3A_187 = arith.cmpi eq, %jit3A_185, %eq3A_186 : i32
        %jit3A_188 = arith.constant 1 : i32
        %select_n3A_189 = arith.select %eq3A_187, %jit3A_188, %jit3A_185 : i32
        %rem3A_190 = arith.remsi %scan3A_159, %select_n3A_189 : i32
        %ne3A_191 = arith.constant 0 : i32
        %ne3A_192 = arith.cmpi ne, %rem3A_190, %ne3A_191 : i32
        %lt3A_193 = arith.constant 0 : i32
        %lt3A_194 = arith.cmpi slt, %rem3A_190, %lt3A_193 : i32
        %lt3A_195 = arith.constant 0 : i32
        %lt3A_196 = arith.cmpi slt, %select_n3A_189, %lt3A_195 : i32
        %ne3A_197 = arith.xori %lt3A_194, %lt3A_196 : i1
        %and3A_198 = arith.andi %ne3A_197, %ne3A_192 : i1
        %add3A_199 = arith.addi %rem3A_190, %select_n3A_189 : i32
        %select_n3A_200 = arith.select %and3A_198, %add3A_199, %rem3A_190 : i32
        %get3A = arith.constant 0 : i32
        %get3A_201 = arith.index_cast %get3A : i32 to index
        %get3A_202 = arith.constant 0 : index
        %get3A_203 = tpu.vector_load %arg9[%get3A_201, %get3A_202] {strides = array<i32>} : memref<1x256xf32, #tpu.memory_space<vmem>>, vector<1x16xf32>,
        %get3A_204 = vector.shape_cast %get3A_203 : vector<1x16xf32> to vector<16xf32>
        %get3A_205 = arith.index_cast %add3A_184 : i32 to index
        %get3A_206 = arith.constant 0 : index
        %get3A_207 = tpu.vector_load %arg7[%get3A_205, %get3A_206] {strides = array<i32>} : memref<48x256xf32, #tpu.memory_space<vmem>>, vector<1x16xf32>,
        %get3A_208 = vector.shape_cast %get3A_207 : vector<1x16xf32> to vector<16xf32>
        %add3A_209 = arith.addf %get3A_204, %get3A_208 : vector<16xf32>
        %get3A_210 = arith.index_cast %select_n3A_200 : i32 to index
        %get3A_211 = arith.constant 0 : index
        %get3A_212 = tpu.vector_load %arg8[%get3A_210, %get3A_211] {strides = array<i32>} : memref<48x256xf32, #tpu.memory_space<vmem>>, vector<1x16xf32>,
        %get3A_213 = vector.shape_cast %get3A_212 : vector<1x16xf32> to vector<16xf32>
        %add3A_214 = arith.addf %add3A_209, %get3A_213 : vector<16xf32>
        %swap3A = arith.index_cast %scan3A_159 : i32 to index
        %swap3A_215 = arith.constant 0 : index
        %swap3A_216 = tpu.vector_load %arg10[%swap3A, %swap3A_215] {strides = array<i32>} : memref<96x256xf32, #tpu.memory_space<vmem>>, vector<1x16xf32>,
        %swap3A_217 = vector.shape_cast %swap3A_216 : vector<1x16xf32> to vector<16xf32>
        %swap3A_218 = vector.shape_cast %add3A_214 : vector<16xf32> to vector<1x16xf32>
        tpu.vector_store %arg10[%swap3A, %swap3A_215], %swap3A_218 {strides = array<i32>} : memref<96x256xf32, #tpu.memory_space<vmem>>, vector<1x16xf32>,
        %get3A_219 = arith.constant 0 : i32
        %get3A_220 = arith.index_cast %get3A_219 : i32 to index
        %get3A_221 = arith.constant 16 : index
        %get3A_222 = tpu.vector_load %arg9[%get3A_220, %get3A_221] {strides = array<i32>} : memref<1x256xf32, #tpu.memory_space<vmem>>, vector<1x16xf32>,
        %get3A_223 = vector.shape_cast %get3A_222 : vector<1x16xf32> to vector<16xf32>
        %get3A_224 = arith.index_cast %add3A_184 : i32 to index
        %get3A_225 = arith.constant 16 : index
        %get3A_226 = tpu.vector_load %arg7[%get3A_224, %get3A_225] {strides = array<i32>} : memref<48x256xf32, #tpu.memory_space<vmem>>, vector<1x16xf32>,
        %get3A_227 = vector.shape_cast %get3A_226 : vector<1x16xf32> to vector<16xf32>
        %add3A_228 = arith.addf %get3A_223, %get3A_227 : vector<16xf32>
        %get3A_229 = arith.index_cast %select_n3A_200 : i32 to index
        %get3A_230 = arith.constant 16 : index
        %get3A_231 = tpu.vector_load %arg8[%get3A_229, %get3A_230] {strides = array<i32>} : memref<48x256xf32, #tpu.memory_space<vmem>>, vector<1x16xf32>,
        %get3A_232 = vector.shape_cast %get3A_231 : vector<1x16xf32> to vector<16xf32>
        %add3A_233 = arith.addf %add3A_228, %get3A_232 : vector<16xf32>
        %swap3A_234 = arith.index_cast %scan3A_159 : i32 to index
        %swap3A_235 = arith.constant 16 : index
        %swap3A_236 = tpu.vector_load %arg10[%swap3A_234, %swap3A_235] {strides = array<i32>} : memref<96x256xf32, #tpu.memory_space<vmem>>, vector<1x16xf32>,
        %swap3A_237 = vector.shape_cast %swap3A_236 : vector<1x16xf32> to vector<16xf32>
        %swap3A_238 = vector.shape_cast %add3A_233 : vector<16xf32> to vector<1x16xf32>
        tpu.vector_store %arg10[%swap3A_234, %swap3A_235], %swap3A_238 {strides = array<i32>} : memref<96x256xf32, #tpu.memory_space<vmem>>, vector<1x16xf32>,
        %get3A_239 = arith.constant 0 : i32
        %get3A_240 = arith.index_cast %get3A_239 : i32 to index
        %get3A_241 = arith.constant 32 : index
        %get3A_242 = tpu.vector_load %arg9[%get3A_240, %get3A_241] {strides = array<i32>} : memref<1x256xf32, #tpu.memory_space<vmem>>, vector<1x16xf32>,
        %get3A_243 = vector.shape_cast %get3A_242 : vector<1x16xf32> to vector<16xf32>
        %get3A_244 = arith.index_cast %add3A_184 : i32 to index
        %get3A_245 = arith.constant 32 : index
        %get3A_246 = tpu.vector_load %arg7[%get3A_244, %get3A_245] {strides = array<i32>} : memref<48x256xf32, #tpu.memory_space<vmem>>, vector<1x16xf32>,
        %get3A_247 = vector.shape_cast %get3A_246 : vector<1x16xf32> to vector<16xf32>
        %add3A_248 = arith.addf %get3A_243, %get3A_247 : vector<16xf32>
        %get3A_249 = arith.index_cast %select_n3A_200 : i32 to index
        %get3A_250 = arith.constant 32 : index
        %get3A_251 = tpu.vector_load %arg8[%get3A_249, %get3A_250] {strides = array<i32>} : memref<48x256xf32, #tpu.memory_space<vmem>>, vector<1x16xf32>,
        %get3A_252 = vector.shape_cast %get3A_251 : vector<1x16xf32> to vector<16xf32>
        %add3A_253 = arith.addf %add3A_248, %get3A_252 : vector<16xf32>
        %swap3A_254 = arith.index_cast %scan3A_159 : i32 to index
        %swap3A_255 = arith.constant 32 : index
        %swap3A_256 = tpu.vector_load %arg10[%swap3A_254, %swap3A_255] {strides = array<i32>} : memref<96x256xf32, #tpu.memory_space<vmem>>, vector<1x16xf32>,
        %swap3A_257 = vector.shape_cast %swap3A_256 : vector<1x16xf32> to vector<16xf32>
        %swap3A_258 = vector.shape_cast %add3A_253 : vector<16xf32> to vector<1x16xf32>
        tpu.vector_store %arg10[%swap3A_254, %swap3A_255], %swap3A_258 {strides = array<i32>} : memref<96x256xf32, #tpu.memory_space<vmem>>, vector<1x16xf32>,
        %get3A_259 = arith.constant 0 : i32
        %get3A_260 = arith.index_cast %get3A_259 : i32 to index
        %get3A_261 = arith.constant 48 : index
        %get3A_262 = tpu.vector_load %arg9[%get3A_260, %get3A_261] {strides = array<i32>} : memref<1x256xf32, #tpu.memory_space<vmem>>, vector<1x16xf32>,
        %get3A_263 = vector.shape_cast %get3A_262 : vector<1x16xf32> to vector<16xf32>
        %get3A_264 = arith.index_cast %add3A_184 : i32 to index
        %get3A_265 = arith.constant 48 : index
        %get3A_266 = tpu.vector_load %arg7[%get3A_264, %get3A_265] {strides = array<i32>} : memref<48x256xf32, #tpu.memory_space<vmem>>, vector<1x16xf32>,
        %get3A_267 = vector.shape_cast %get3A_266 : vector<1x16xf32> to vector<16xf32>
        %add3A_268 = arith.addf %get3A_263, %get3A_267 : vector<16xf32>
        %get3A_269 = arith.index_cast %select_n3A_200 : i32 to index
        %get3A_270 = arith.constant 48 : index
        %get3A_271 = tpu.vector_load %arg8[%get3A_269, %get3A_270] {strides = array<i32>} : memref<48x256xf32, #tpu.memory_space<vmem>>, vector<1x16xf32>,
        %get3A_272 = vector.shape_cast %get3A_271 : vector<1x16xf32> to vector<16xf32>
        %add3A_273 = arith.addf %add3A_268, %get3A_272 : vector<16xf32>
        %swap3A_274 = arith.index_cast %scan3A_159 : i32 to index
        %swap3A_275 = arith.constant 48 : index
        %swap3A_276 = tpu.vector_load %arg10[%swap3A_274, %swap3A_275] {strides = array<i32>} : memref<96x256xf32, #tpu.memory_space<vmem>>, vector<1x16xf32>,
        %swap3A_277 = vector.shape_cast %swap3A_276 : vector<1x16xf32> to vector<16xf32>
        %swap3A_278 = vector.shape_cast %add3A_273 : vector<16xf32> to vector<1x16xf32>
        tpu.vector_store %arg10[%swap3A_274, %swap3A_275], %swap3A_278 {strides = array<i32>} : memref<96x256xf32, #tpu.memory_space<vmem>>, vector<1x16xf32>,
        %get3A_279 = arith.constant 0 : i32
        %get3A_280 = arith.index_cast %get3A_279 : i32 to index
        %get3A_281 = arith.constant 64 : index
        %get3A_282 = tpu.vector_load %arg9[%get3A_280, %get3A_281] {strides = array<i32>} : memref<1x256xf32, #tpu.memory_space<vmem>>, vector<1x16xf32>,
        %get3A_283 = vector.shape_cast %get3A_282 : vector<1x16xf32> to vector<16xf32>
        %get3A_284 = arith.index_cast %add3A_184 : i32 to index
        %get3A_285 = arith.constant 64 : index
        %get3A_286 = tpu.vector_load %arg7[%get3A_284, %get3A_285] {strides = array<i32>} : memref<48x256xf32, #tpu.memory_space<vmem>>, vector<1x16xf32>,
        %get3A_287 = vector.shape_cast %get3A_286 : vector<1x16xf32> to vector<16xf32>
        %add3A_288 = arith.addf %get3A_283, %get3A_287 : vector<16xf32>
        %get3A_289 = arith.index_cast %select_n3A_200 : i32 to index
        %get3A_290 = arith.constant 64 : index
        %get3A_291 = tpu.vector_load %arg8[%get3A_289, %get3A_290] {strides = array<i32>} : memref<48x256xf32, #tpu.memory_space<vmem>>, vector<1x16xf32>,
        %get3A_292 = vector.shape_cast %get3A_291 : vector<1x16xf32> to vector<16xf32>
        %add3A_293 = arith.addf %add3A_288, %get3A_292 : vector<16xf32>
        %swap3A_294 = arith.index_cast %scan3A_159 : i32 to index
        %swap3A_295 = arith.constant 64 : index
        %swap3A_296 = tpu.vector_load %arg10[%swap3A_294, %swap3A_295] {strides = array<i32>} : memref<96x256xf32, #tpu.memory_space<vmem>>, vector<1x16xf32>,
        %swap3A_297 = vector.shape_cast %swap3A_296 : vector<1x16xf32> to vector<16xf32>
        %swap3A_298 = vector.shape_cast %add3A_293 : vector<16xf32> to vector<1x16xf32>
        tpu.vector_store %arg10[%swap3A_294, %swap3A_295], %swap3A_298 {strides = array<i32>} : memref<96x256xf32, #tpu.memory_space<vmem>>, vector<1x16xf32>,
        %get3A_299 = arith.constant 0 : i32
        %get3A_300 = arith.index_cast %get3A_299 : i32 to index
        %get3A_301 = arith.constant 80 : index
        %get3A_302 = tpu.vector_load %arg9[%get3A_300, %get3A_301] {strides = array<i32>} : memref<1x256xf32, #tpu.memory_space<vmem>>, vector<1x16xf32>,
        %get3A_303 = vector.shape_cast %get3A_302 : vector<1x16xf32> to vector<16xf32>
        %get3A_304 = arith.index_cast %add3A_184 : i32 to index
        %get3A_305 = arith.constant 80 : index
        %get3A_306 = tpu.vector_load %arg7[%get3A_304, %get3A_305] {strides = array<i32>} : memref<48x256xf32, #tpu.memory_space<vmem>>, vector<1x16xf32>,
        %get3A_307 = vector.shape_cast %get3A_306 : vector<1x16xf32> to vector<16xf32>
        %add3A_308 = arith.addf %get3A_303, %get3A_307 : vector<16xf32>
        %get3A_309 = arith.index_cast %select_n3A_200 : i32 to index
        %get3A_310 = arith.constant 80 : index
        %get3A_311 = tpu.vector_load %arg8[%get3A_309, %get3A_310] {strides = array<i32>} : memref<48x256xf32, #tpu.memory_space<vmem>>, vector<1x16xf32>,
        %get3A_312 = vector.shape_cast %get3A_311 : vector<1x16xf32> to vector<16xf32>
        %add3A_313 = arith.addf %add3A_308, %get3A_312 : vector<16xf32>
        %swap3A_314 = arith.index_cast %scan3A_159 : i32 to index
        %swap3A_315 = arith.constant 80 : index
        %swap3A_316 = tpu.vector_load %arg10[%swap3A_314, %swap3A_315] {strides = array<i32>} : memref<96x256xf32, #tpu.memory_space<vmem>>, vector<1x16xf32>,
        %swap3A_317 = vector.shape_cast %swap3A_316 : vector<1x16xf32> to vector<16xf32>
        %swap3A_318 = vector.shape_cast %add3A_313 : vector<16xf32> to vector<1x16xf32>
        tpu.vector_store %arg10[%swap3A_314, %swap3A_315], %swap3A_318 {strides = array<i32>} : memref<96x256xf32, #tpu.memory_space<vmem>>, vector<1x16xf32>,
        %get3A_319 = arith.constant 0 : i32
        %get3A_320 = arith.index_cast %get3A_319 : i32 to index
        %get3A_321 = arith.constant 96 : index
        %get3A_322 = tpu.vector_load %arg9[%get3A_320, %get3A_321] {strides = array<i32>} : memref<1x256xf32, #tpu.memory_space<vmem>>, vector<1x16xf32>,
        %get3A_323 = vector.shape_cast %get3A_322 : vector<1x16xf32> to vector<16xf32>
        %get3A_324 = arith.index_cast %add3A_184 : i32 to index
        %get3A_325 = arith.constant 96 : index
        %get3A_326 = tpu.vector_load %arg7[%get3A_324, %get3A_325] {strides = array<i32>} : memref<48x256xf32, #tpu.memory_space<vmem>>, vector<1x16xf32>,
        %get3A_327 = vector.shape_cast %get3A_326 : vector<1x16xf32> to vector<16xf32>
        %add3A_328 = arith.addf %get3A_323, %get3A_327 : vector<16xf32>
        %get3A_329 = arith.index_cast %select_n3A_200 : i32 to index
        %get3A_330 = arith.constant 96 : index
        %get3A_331 = tpu.vector_load %arg8[%get3A_329, %get3A_330] {strides = array<i32>} : memref<48x256xf32, #tpu.memory_space<vmem>>, vector<1x16xf32>,
        %get3A_332 = vector.shape_cast %get3A_331 : vector<1x16xf32> to vector<16xf32>
        %add3A_333 = arith.addf %add3A_328, %get3A_332 : vector<16xf32>
        %swap3A_334 = arith.index_cast %scan3A_159 : i32 to index
        %swap3A_335 = arith.constant 96 : index
        %swap3A_336 = tpu.vector_load %arg10[%swap3A_334, %swap3A_335] {strides = array<i32>} : memref<96x256xf32, #tpu.memory_space<vmem>>, vector<1x16xf32>,
        %swap3A_337 = vector.shape_cast %swap3A_336 : vector<1x16xf32> to vector<16xf32>
        %swap3A_338 = vector.shape_cast %add3A_333 : vector<16xf32> to vector<1x16xf32>
        tpu.vector_store %arg10[%swap3A_334, %swap3A_335], %swap3A_338 {strides = array<i32>} : memref<96x256xf32, #tpu.memory_space<vmem>>, vector<1x16xf32>,
        %get3A_339 = arith.constant 0 : i32
        %get3A_340 = arith.index_cast %get3A_339 : i32 to index
        %get3A_341 = arith.constant 112 : index
        %get3A_342 = tpu.vector_load %arg9[%get3A_340, %get3A_341] {strides = array<i32>} : memref<1x256xf32, #tpu.memory_space<vmem>>, vector<1x16xf32>,
        %get3A_343 = vector.shape_cast %get3A_342 : vector<1x16xf32> to vector<16xf32>
        %get3A_344 = arith.index_cast %add3A_184 : i32 to index
        %get3A_345 = arith.constant 112 : index
        %get3A_346 = tpu.vector_load %arg7[%get3A_344, %get3A_345] {strides = array<i32>} : memref<48x256xf32, #tpu.memory_space<vmem>>, vector<1x16xf32>,
        %get3A_347 = vector.shape_cast %get3A_346 : vector<1x16xf32> to vector<16xf32>
        %add3A_348 = arith.addf %get3A_343, %get3A_347 : vector<16xf32>
        %get3A_349 = arith.index_cast %select_n3A_200 : i32 to index
        %get3A_350 = arith.constant 112 : index
        %get3A_351 = tpu.vector_load %arg8[%get3A_349, %get3A_350] {strides = array<i32>} : memref<48x256xf32, #tpu.memory_space<vmem>>, vector<1x16xf32>,
        %get3A_352 = vector.shape_cast %get3A_351 : vector<1x16xf32> to vector<16xf32>
        %add3A_353 = arith.addf %add3A_348, %get3A_352 : vector<16xf32>
        %swap3A_354 = arith.index_cast %scan3A_159 : i32 to index
        %swap3A_355 = arith.constant 112 : index
        %swap3A_356 = tpu.vector_load %arg10[%swap3A_354, %swap3A_355] {strides = array<i32>} : memref<96x256xf32, #tpu.memory_space<vmem>>, vector<1x16xf32>,
        %swap3A_357 = vector.shape_cast %swap3A_356 : vector<1x16xf32> to vector<16xf32>
        %swap3A_358 = vector.shape_cast %add3A_353 : vector<16xf32> to vector<1x16xf32>
        tpu.vector_store %arg10[%swap3A_354, %swap3A_355], %swap3A_358 {strides = array<i32>} : memref<96x256xf32, #tpu.memory_space<vmem>>, vector<1x16xf32>,
        %get3A_359 = arith.constant 0 : i32
        %get3A_360 = arith.index_cast %get3A_359 : i32 to index
        %get3A_361 = arith.constant 128 : index
        %get3A_362 = tpu.vector_load %arg9[%get3A_360, %get3A_361] {strides = array<i32>} : memref<1x256xf32, #tpu.memory_space<vmem>>, vector<1x16xf32>,
        %get3A_363 = vector.shape_cast %get3A_362 : vector<1x16xf32> to vector<16xf32>
        %get3A_364 = arith.index_cast %add3A_184 : i32 to index
        %get3A_365 = arith.constant 128 : index
        %get3A_366 = tpu.vector_load %arg7[%get3A_364, %get3A_365] {strides = array<i32>} : memref<48x256xf32, #tpu.memory_space<vmem>>, vector<1x16xf32>,
        %get3A_367 = vector.shape_cast %get3A_366 : vector<1x16xf32> to vector<16xf32>
        %add3A_368 = arith.addf %get3A_363, %get3A_367 : vector<16xf32>
        %get3A_369 = arith.index_cast %select_n3A_200 : i32 to index
        %get3A_370 = arith.constant 128 : index
        %get3A_371 = tpu.vector_load %arg8[%get3A_369, %get3A_370] {strides = array<i32>} : memref<48x256xf32, #tpu.memory_space<vmem>>, vector<1x16xf32>,
        %get3A_372 = vector.shape_cast %get3A_371 : vector<1x16xf32> to vector<16xf32>
        %add3A_373 = arith.addf %add3A_368, %get3A_372 : vector<16xf32>
        %swap3A_374 = arith.index_cast %scan3A_159 : i32 to index
        %swap3A_375 = arith.constant 128 : index
        %swap3A_376 = tpu.vector_load %arg10[%swap3A_374, %swap3A_375] {strides = array<i32>} : memref<96x256xf32, #tpu.memory_space<vmem>>, vector<1x16xf32>,
        %swap3A_377 = vector.shape_cast %swap3A_376 : vector<1x16xf32> to vector<16xf32>
        %swap3A_378 = vector.shape_cast %add3A_373 : vector<16xf32> to vector<1x16xf32>
        tpu.vector_store %arg10[%swap3A_374, %swap3A_375], %swap3A_378 {strides = array<i32>} : memref<96x256xf32, #tpu.memory_space<vmem>>, vector<1x16xf32>,
        %get3A_379 = arith.constant 0 : i32
        %get3A_380 = arith.index_cast %get3A_379 : i32 to index
        %get3A_381 = arith.constant 144 : index
        %get3A_382 = tpu.vector_load %arg9[%get3A_380, %get3A_381] {strides = array<i32>} : memref<1x256xf32, #tpu.memory_space<vmem>>, vector<1x16xf32>,
        %get3A_383 = vector.shape_cast %get3A_382 : vector<1x16xf32> to vector<16xf32>
        %get3A_384 = arith.index_cast %add3A_184 : i32 to index
        %get3A_385 = arith.constant 144 : index
        %get3A_386 = tpu.vector_load %arg7[%get3A_384, %get3A_385] {strides = array<i32>} : memref<48x256xf32, #tpu.memory_space<vmem>>, vector<1x16xf32>,
        %get3A_387 = vector.shape_cast %get3A_386 : vector<1x16xf32> to vector<16xf32>
        %add3A_388 = arith.addf %get3A_383, %get3A_387 : vector<16xf32>
        %get3A_389 = arith.index_cast %select_n3A_200 : i32 to index
        %get3A_390 = arith.constant 144 : index
        %get3A_391 = tpu.vector_load %arg8[%get3A_389, %get3A_390] {strides = array<i32>} : memref<48x256xf32, #tpu.memory_space<vmem>>, vector<1x16xf32>,
        %get3A_392 = vector.shape_cast %get3A_391 : vector<1x16xf32> to vector<16xf32>
        %add3A_393 = arith.addf %add3A_388, %get3A_392 : vector<16xf32>
        %swap3A_394 = arith.index_cast %scan3A_159 : i32 to index
        %swap3A_395 = arith.constant 144 : index
        %swap3A_396 = tpu.vector_load %arg10[%swap3A_394, %swap3A_395] {strides = array<i32>} : memref<96x256xf32, #tpu.memory_space<vmem>>, vector<1x16xf32>,
        %swap3A_397 = vector.shape_cast %swap3A_396 : vector<1x16xf32> to vector<16xf32>
        %swap3A_398 = vector.shape_cast %add3A_393 : vector<16xf32> to vector<1x16xf32>
        tpu.vector_store %arg10[%swap3A_394, %swap3A_395], %swap3A_398 {strides = array<i32>} : memref<96x256xf32, #tpu.memory_space<vmem>>, vector<1x16xf32>,
        %get3A_399 = arith.constant 0 : i32
        %get3A_400 = arith.index_cast %get3A_399 : i32 to index
        %get3A_401 = arith.constant 160 : index
        %get3A_402 = tpu.vector_load %arg9[%get3A_400, %get3A_401] {strides = array<i32>} : memref<1x256xf32, #tpu.memory_space<vmem>>, vector<1x16xf32>,
        %get3A_403 = vector.shape_cast %get3A_402 : vector<1x16xf32> to vector<16xf32>
        %get3A_404 = arith.index_cast %add3A_184 : i32 to index
        %get3A_405 = arith.constant 160 : index
        %get3A_406 = tpu.vector_load %arg7[%get3A_404, %get3A_405] {strides = array<i32>} : memref<48x256xf32, #tpu.memory_space<vmem>>, vector<1x16xf32>,
        %get3A_407 = vector.shape_cast %get3A_406 : vector<1x16xf32> to vector<16xf32>
        %add3A_408 = arith.addf %get3A_403, %get3A_407 : vector<16xf32>
        %get3A_409 = arith.index_cast %select_n3A_200 : i32 to index
        %get3A_410 = arith.constant 160 : index
        %get3A_411 = tpu.vector_load %arg8[%get3A_409, %get3A_410] {strides = array<i32>} : memref<48x256xf32, #tpu.memory_space<vmem>>, vector<1x16xf32>,
        %get3A_412 = vector.shape_cast %get3A_411 : vector<1x16xf32> to vector<16xf32>
        %add3A_413 = arith.addf %add3A_408, %get3A_412 : vector<16xf32>
        %swap3A_414 = arith.index_cast %scan3A_159 : i32 to index
        %swap3A_415 = arith.constant 160 : index
        %swap3A_416 = tpu.vector_load %arg10[%swap3A_414, %swap3A_415] {strides = array<i32>} : memref<96x256xf32, #tpu.memory_space<vmem>>, vector<1x16xf32>,
        %swap3A_417 = vector.shape_cast %swap3A_416 : vector<1x16xf32> to vector<16xf32>
        %swap3A_418 = vector.shape_cast %add3A_413 : vector<16xf32> to vector<1x16xf32>
        tpu.vector_store %arg10[%swap3A_414, %swap3A_415], %swap3A_418 {strides = array<i32>} : memref<96x256xf32, #tpu.memory_space<vmem>>, vector<1x16xf32>,
        %get3A_419 = arith.constant 0 : i32
        %get3A_420 = arith.index_cast %get3A_419 : i32 to index
        %get3A_421 = arith.constant 176 : index
        %get3A_422 = tpu.vector_load %arg9[%get3A_420, %get3A_421] {strides = array<i32>} : memref<1x256xf32, #tpu.memory_space<vmem>>, vector<1x16xf32>,
        %get3A_423 = vector.shape_cast %get3A_422 : vector<1x16xf32> to vector<16xf32>
        %get3A_424 = arith.index_cast %add3A_184 : i32 to index
        %get3A_425 = arith.constant 176 : index
        %get3A_426 = tpu.vector_load %arg7[%get3A_424, %get3A_425] {strides = array<i32>} : memref<48x256xf32, #tpu.memory_space<vmem>>, vector<1x16xf32>,
        %get3A_427 = vector.shape_cast %get3A_426 : vector<1x16xf32> to vector<16xf32>
        %add3A_428 = arith.addf %get3A_423, %get3A_427 : vector<16xf32>
        %get3A_429 = arith.index_cast %select_n3A_200 : i32 to index
        %get3A_430 = arith.constant 176 : index
        %get3A_431 = tpu.vector_load %arg8[%get3A_429, %get3A_430] {strides = array<i32>} : memref<48x256xf32, #tpu.memory_space<vmem>>, vector<1x16xf32>,
        %get3A_432 = vector.shape_cast %get3A_431 : vector<1x16xf32> to vector<16xf32>
        %add3A_433 = arith.addf %add3A_428, %get3A_432 : vector<16xf32>
        %swap3A_434 = arith.index_cast %scan3A_159 : i32 to index
        %swap3A_435 = arith.constant 176 : index
        %swap3A_436 = tpu.vector_load %arg10[%swap3A_434, %swap3A_435] {strides = array<i32>} : memref<96x256xf32, #tpu.memory_space<vmem>>, vector<1x16xf32>,
        %swap3A_437 = vector.shape_cast %swap3A_436 : vector<1x16xf32> to vector<16xf32>
        %swap3A_438 = vector.shape_cast %add3A_433 : vector<16xf32> to vector<1x16xf32>
        tpu.vector_store %arg10[%swap3A_434, %swap3A_435], %swap3A_438 {strides = array<i32>} : memref<96x256xf32, #tpu.memory_space<vmem>>, vector<1x16xf32>,
        %get3A_439 = arith.constant 0 : i32
        %get3A_440 = arith.index_cast %get3A_439 : i32 to index
        %get3A_441 = arith.constant 192 : index
        %get3A_442 = tpu.vector_load %arg9[%get3A_440, %get3A_441] {strides = array<i32>} : memref<1x256xf32, #tpu.memory_space<vmem>>, vector<1x16xf32>,
        %get3A_443 = vector.shape_cast %get3A_442 : vector<1x16xf32> to vector<16xf32>
        %get3A_444 = arith.index_cast %add3A_184 : i32 to index
        %get3A_445 = arith.constant 192 : index
        %get3A_446 = tpu.vector_load %arg7[%get3A_444, %get3A_445] {strides = array<i32>} : memref<48x256xf32, #tpu.memory_space<vmem>>, vector<1x16xf32>,
        %get3A_447 = vector.shape_cast %get3A_446 : vector<1x16xf32> to vector<16xf32>
        %add3A_448 = arith.addf %get3A_443, %get3A_447 : vector<16xf32>
        %get3A_449 = arith.index_cast %select_n3A_200 : i32 to index
        %get3A_450 = arith.constant 192 : index
        %get3A_451 = tpu.vector_load %arg8[%get3A_449, %get3A_450] {strides = array<i32>} : memref<48x256xf32, #tpu.memory_space<vmem>>, vector<1x16xf32>,
        %get3A_452 = vector.shape_cast %get3A_451 : vector<1x16xf32> to vector<16xf32>
        %add3A_453 = arith.addf %add3A_448, %get3A_452 : vector<16xf32>
        %swap3A_454 = arith.index_cast %scan3A_159 : i32 to index
        %swap3A_455 = arith.constant 192 : index
        %swap3A_456 = tpu.vector_load %arg10[%swap3A_454, %swap3A_455] {strides = array<i32>} : memref<96x256xf32, #tpu.memory_space<vmem>>, vector<1x16xf32>,
        %swap3A_457 = vector.shape_cast %swap3A_456 : vector<1x16xf32> to vector<16xf32>
        %swap3A_458 = vector.shape_cast %add3A_453 : vector<16xf32> to vector<1x16xf32>
        tpu.vector_store %arg10[%swap3A_454, %swap3A_455], %swap3A_458 {strides = array<i32>} : memref<96x256xf32, #tpu.memory_space<vmem>>, vector<1x16xf32>,
        %get3A_459 = arith.constant 0 : i32
        %get3A_460 = arith.index_cast %get3A_459 : i32 to index
        %get3A_461 = arith.constant 208 : index
        %get3A_462 = tpu.vector_load %arg9[%get3A_460, %get3A_461] {strides = array<i32>} : memref<1x256xf32, #tpu.memory_space<vmem>>, vector<1x16xf32>,
        %get3A_463 = vector.shape_cast %get3A_462 : vector<1x16xf32> to vector<16xf32>
        %get3A_464 = arith.index_cast %add3A_184 : i32 to index
        %get3A_465 = arith.constant 208 : index
        %get3A_466 = tpu.vector_load %arg7[%get3A_464, %get3A_465] {strides = array<i32>} : memref<48x256xf32, #tpu.memory_space<vmem>>, vector<1x16xf32>,
        %get3A_467 = vector.shape_cast %get3A_466 : vector<1x16xf32> to vector<16xf32>
        %add3A_468 = arith.addf %get3A_463, %get3A_467 : vector<16xf32>
        %get3A_469 = arith.index_cast %select_n3A_200 : i32 to index
        %get3A_470 = arith.constant 208 : index
        %get3A_471 = tpu.vector_load %arg8[%get3A_469, %get3A_470] {strides = array<i32>} : memref<48x256xf32, #tpu.memory_space<vmem>>, vector<1x16xf32>,
        %get3A_472 = vector.shape_cast %get3A_471 : vector<1x16xf32> to vector<16xf32>
        %add3A_473 = arith.addf %add3A_468, %get3A_472 : vector<16xf32>
        %swap3A_474 = arith.index_cast %scan3A_159 : i32 to index
        %swap3A_475 = arith.constant 208 : index
        %swap3A_476 = tpu.vector_load %arg10[%swap3A_474, %swap3A_475] {strides = array<i32>} : memref<96x256xf32, #tpu.memory_space<vmem>>, vector<1x16xf32>,
        %swap3A_477 = vector.shape_cast %swap3A_476 : vector<1x16xf32> to vector<16xf32>
        %swap3A_478 = vector.shape_cast %add3A_473 : vector<16xf32> to vector<1x16xf32>
        tpu.vector_store %arg10[%swap3A_474, %swap3A_475], %swap3A_478 {strides = array<i32>} : memref<96x256xf32, #tpu.memory_space<vmem>>, vector<1x16xf32>,
        %get3A_479 = arith.constant 0 : i32
        %get3A_480 = arith.index_cast %get3A_479 : i32 to index
        %get3A_481 = arith.constant 224 : index
        %get3A_482 = tpu.vector_load %arg9[%get3A_480, %get3A_481] {strides = array<i32>} : memref<1x256xf32, #tpu.memory_space<vmem>>, vector<1x16xf32>,
        %get3A_483 = vector.shape_cast %get3A_482 : vector<1x16xf32> to vector<16xf32>
        %get3A_484 = arith.index_cast %add3A_184 : i32 to index
        %get3A_485 = arith.constant 224 : index
        %get3A_486 = tpu.vector_load %arg7[%get3A_484, %get3A_485] {strides = array<i32>} : memref<48x256xf32, #tpu.memory_space<vmem>>, vector<1x16xf32>,
        %get3A_487 = vector.shape_cast %get3A_486 : vector<1x16xf32> to vector<16xf32>
        %add3A_488 = arith.addf %get3A_483, %get3A_487 : vector<16xf32>
        %get3A_489 = arith.index_cast %select_n3A_200 : i32 to index
        %get3A_490 = arith.constant 224 : index
        %get3A_491 = tpu.vector_load %arg8[%get3A_489, %get3A_490] {strides = array<i32>} : memref<48x256xf32, #tpu.memory_space<vmem>>, vector<1x16xf32>,
        %get3A_492 = vector.shape_cast %get3A_491 : vector<1x16xf32> to vector<16xf32>
        %add3A_493 = arith.addf %add3A_488, %get3A_492 : vector<16xf32>
        %swap3A_494 = arith.index_cast %scan3A_159 : i32 to index
        %swap3A_495 = arith.constant 224 : index
        %swap3A_496 = tpu.vector_load %arg10[%swap3A_494, %swap3A_495] {strides = array<i32>} : memref<96x256xf32, #tpu.memory_space<vmem>>, vector<1x16xf32>,
        %swap3A_497 = vector.shape_cast %swap3A_496 : vector<1x16xf32> to vector<16xf32>
        %swap3A_498 = vector.shape_cast %add3A_493 : vector<16xf32> to vector<1x16xf32>
        tpu.vector_store %arg10[%swap3A_494, %swap3A_495], %swap3A_498 {strides = array<i32>} : memref<96x256xf32, #tpu.memory_space<vmem>>, vector<1x16xf32>,
        %get3A_499 = arith.constant 0 : i32
        %get3A_500 = arith.index_cast %get3A_499 : i32 to index
        %get3A_501 = arith.constant 240 : index
        %get3A_502 = tpu.vector_load %arg9[%get3A_500, %get3A_501] {strides = array<i32>} : memref<1x256xf32, #tpu.memory_space<vmem>>, vector<1x16xf32>,
        %get3A_503 = vector.shape_cast %get3A_502 : vector<1x16xf32> to vector<16xf32>
        %get3A_504 = arith.index_cast %add3A_184 : i32 to index
        %get3A_505 = arith.constant 240 : index
        %get3A_506 = tpu.vector_load %arg7[%get3A_504, %get3A_505] {strides = array<i32>} : memref<48x256xf32, #tpu.memory_space<vmem>>, vector<1x16xf32>,
        %get3A_507 = vector.shape_cast %get3A_506 : vector<1x16xf32> to vector<16xf32>
        %add3A_508 = arith.addf %get3A_503, %get3A_507 : vector<16xf32>
        %get3A_509 = arith.index_cast %select_n3A_200 : i32 to index
        %get3A_510 = arith.constant 240 : index
        %get3A_511 = tpu.vector_load %arg8[%get3A_509, %get3A_510] {strides = array<i32>} : memref<48x256xf32, #tpu.memory_space<vmem>>, vector<1x16xf32>,
        %get3A_512 = vector.shape_cast %get3A_511 : vector<1x16xf32> to vector<16xf32>
        %add3A_513 = arith.addf %add3A_508, %get3A_512 : vector<16xf32>
        %swap3A_514 = arith.index_cast %scan3A_159 : i32 to index
        %swap3A_515 = arith.constant 240 : index
        %swap3A_516 = tpu.vector_load %arg10[%swap3A_514, %swap3A_515] {strides = array<i32>} : memref<96x256xf32, #tpu.memory_space<vmem>>, vector<1x16xf32>,
        %swap3A_517 = vector.shape_cast %swap3A_516 : vector<1x16xf32> to vector<16xf32>
        %swap3A_518 = vector.shape_cast %add3A_513 : vector<16xf32> to vector<1x16xf32>
        tpu.vector_store %arg10[%swap3A_514, %swap3A_515], %swap3A_518 {strides = array<i32>} : memref<96x256xf32, #tpu.memory_space<vmem>>, vector<1x16xf32>,
      }
      %scan3A_48 = arith.constant 96 : i32
      %add3A_49 = arith.constant 0 : i32
      %add3A_50 = arith.addi %mul3A_32, %add3A_49 : i32
      %mul3A_51 = arith.constant 16 : i32
      %mul3A_52 = arith.muli %add3A_50, %mul3A_51 : i32
      %add3A_53 = arith.addi %mul3A_52, %select_n3A_9 : i32
      %dma_start3A = arith.constant 0 : i32
      %dma_start3A_54 = tpu.memref_slice %arg2[%add3A_53, %mul3A_42, %dma_start3A] : memref<128x2304x256xf32, #tpu.memory_space<hbm>> -> memref<1x96x256xf32, #tpu.memory_space<hbm>>
      %dma_start3A_55 = tpu.memref_squeeze %dma_start3A_54 : memref<1x96x256xf32, #tpu.memory_space<hbm>> -> memref<96x256xf32, #tpu.memory_space<hbm>>
      %dma_start3A_56 = arith.constant 0 : i32
      %dma_start3A_57 = tpu.memref_slice %arg2[%add3A_53, %mul3A_42, %dma_start3A_56] : memref<128x2304x256xf32, #tpu.memory_space<hbm>> -> memref<1x96x256xf32, #tpu.memory_space<hbm>>
      %dma_start3A_58 = tpu.memref_squeeze %dma_start3A_57 : memref<1x96x256xf32, #tpu.memory_space<hbm>> -> memref<96x256xf32, #tpu.memory_space<hbm>>
      tpu.enqueue_dma source(%dma_start3A_58 : memref<96x256xf32, #tpu.memory_space<hbm>>) target(%arg11 : memref<96x256xf32, #tpu.memory_space<vmem>>) target_semaphore(%arg13 : memref<!tpu.dma_semaphore, #tpu.memory_space<semaphore_mem>>)
      %add3A_59 = arith.constant 1 : i32
      %add3A_60 = arith.addi %mul3A_32, %add3A_59 : i32
      %mul3A_61 = arith.constant 16 : i32
      %mul3A_62 = arith.muli %add3A_60, %mul3A_61 : i32
      %add3A_63 = arith.addi %mul3A_62, %select_n3A_9 : i32
      %dma_start3A_64 = arith.constant 0 : i32
      %dma_start3A_65 = tpu.memref_slice %arg2[%add3A_63, %mul3A_42, %dma_start3A_64] : memref<128x2304x256xf32, #tpu.memory_space<hbm>> -> memref<1x96x256xf32, #tpu.memory_space<hbm>>
      %dma_start3A_66 = tpu.memref_squeeze %dma_start3A_65 : memref<1x96x256xf32, #tpu.memory_space<hbm>> -> memref<96x256xf32, #tpu.memory_space<hbm>>
      %dma_start3A_67 = arith.constant 0 : i32
      %dma_start3A_68 = tpu.memref_slice %arg2[%add3A_63, %mul3A_42, %dma_start3A_67] : memref<128x2304x256xf32, #tpu.memory_space<hbm>> -> memref<1x96x256xf32, #tpu.memory_space<hbm>>
      %dma_start3A_69 = tpu.memref_squeeze %dma_start3A_68 : memref<1x96x256xf32, #tpu.memory_space<hbm>> -> memref<96x256xf32, #tpu.memory_space<hbm>>
      tpu.enqueue_dma source(%dma_start3A_69 : memref<96x256xf32, #tpu.memory_space<hbm>>) target(%arg12 : memref<96x256xf32, #tpu.memory_space<vmem>>) target_semaphore(%arg14 : memref<!tpu.dma_semaphore, #tpu.memory_space<semaphore_mem>>)
      %dma_wait3A = arith.constant 0 : i32
      %dma_wait3A_70 = tpu.memref_slice %arg2[%add3A_53, %mul3A_42, %dma_wait3A] : memref<128x2304x256xf32, #tpu.memory_space<hbm>> -> memref<1x96x256xf32, #tpu.memory_space<hbm>>
      %dma_wait3A_71 = tpu.memref_squeeze %dma_wait3A_70 : memref<1x96x256xf32, #tpu.memory_space<hbm>> -> memref<96x256xf32, #tpu.memory_space<hbm>>
      %dma_wait3A_72 = arith.constant 0 : i32
      %dma_wait3A_73 = tpu.memref_slice %arg2[%add3A_53, %mul3A_42, %dma_wait3A_72] : memref<128x2304x256xf32, #tpu.memory_space<hbm>> -> memref<1x96x256xf32, #tpu.memory_space<hbm>>
      %dma_wait3A_74 = tpu.memref_squeeze %dma_wait3A_73 : memref<1x96x256xf32, #tpu.memory_space<hbm>> -> memref<96x256xf32, #tpu.memory_space<hbm>>
      tpu.wait_dma2 semaphore(%arg13 : memref<!tpu.dma_semaphore, #tpu.memory_space<semaphore_mem>>) src(%dma_wait3A_74 : memref<96x256xf32, #tpu.memory_space<hbm>>) dst(%arg11 : memref<96x256xf32, #tpu.memory_space<vmem>>)
      %scan3A_75 = arith.constant 0 : i32
      %scan3A_76 = arith.constant 0 : i32
      %scan3A_77 = arith.constant 96 : i32
      %scan3A_78 = arith.addi %scan3A_76, %scan3A_77 : i32
      %scan3A_79 = arith.constant 1 : i32
      scf.for %scan3A_159 = %scan3A_76 to %scan3A_78 step %scan3A_79  : i32 {
        %get3A = arith.index_cast %scan3A_159 : i32 to index
        %get3A_160 = arith.constant 0 : index
        %get3A_161 = tpu.vector_load %arg11[%get3A, %get3A_160] {strides = array<i32>} : memref<96x256xf32, #tpu.memory_space<vmem>>, vector<1x16xf32>,
        %get3A_162 = vector.shape_cast %get3A_161 : vector<1x16xf32> to vector<16xf32>
        %get3A_163 = arith.index_cast %scan3A_159 : i32 to index
        %get3A_164 = arith.constant 0 : index
        %get3A_165 = tpu.vector_load %arg10[%get3A_163, %get3A_164] {strides = array<i32>} : memref<96x256xf32, #tpu.memory_space<vmem>>, vector<1x16xf32>,
        %get3A_166 = vector.shape_cast %get3A_165 : vector<1x16xf32> to vector<16xf32>
        %add3A_167 = arith.addf %get3A_162, %get3A_166 : vector<16xf32>
        %swap3A = arith.index_cast %scan3A_159 : i32 to index
        %swap3A_168 = arith.constant 0 : index
        %swap3A_169 = tpu.vector_load %arg11[%swap3A, %swap3A_168] {strides = array<i32>} : memref<96x256xf32, #tpu.memory_space<vmem>>, vector<1x16xf32>,
        %swap3A_170 = vector.shape_cast %swap3A_169 : vector<1x16xf32> to vector<16xf32>
        %swap3A_171 = vector.shape_cast %add3A_167 : vector<16xf32> to vector<1x16xf32>
        tpu.vector_store %arg11[%swap3A, %swap3A_168], %swap3A_171 {strides = array<i32>} : memref<96x256xf32, #tpu.memory_space<vmem>>, vector<1x16xf32>,
        %get3A_172 = arith.index_cast %scan3A_159 : i32 to index
        %get3A_173 = arith.constant 16 : index
        %get3A_174 = tpu.vector_load %arg11[%get3A_172, %get3A_173] {strides = array<i32>} : memref<96x256xf32, #tpu.memory_space<vmem>>, vector<1x16xf32>,
        %get3A_175 = vector.shape_cast %get3A_174 : vector<1x16xf32> to vector<16xf32>
        %get3A_176 = arith.index_cast %scan3A_159 : i32 to index
        %get3A_177 = arith.constant 16 : index
        %get3A_178 = tpu.vector_load %arg10[%get3A_176, %get3A_177] {strides = array<i32>} : memref<96x256xf32, #tpu.memory_space<vmem>>, vector<1x16xf32>,
        %get3A_179 = vector.shape_cast %get3A_178 : vector<1x16xf32> to vector<16xf32>
        %add3A_180 = arith.addf %get3A_175, %get3A_179 : vector<16xf32>
        %swap3A_181 = arith.index_cast %scan3A_159 : i32 to index
        %swap3A_182 = arith.constant 16 : index
        %swap3A_183 = tpu.vector_load %arg11[%swap3A_181, %swap3A_182] {strides = array<i32>} : memref<96x256xf32, #tpu.memory_space<vmem>>, vector<1x16xf32>,
        %swap3A_184 = vector.shape_cast %swap3A_183 : vector<1x16xf32> to vector<16xf32>
        %swap3A_185 = vector.shape_cast %add3A_180 : vector<16xf32> to vector<1x16xf32>
        tpu.vector_store %arg11[%swap3A_181, %swap3A_182], %swap3A_185 {strides = array<i32>} : memref<96x256xf32, #tpu.memory_space<vmem>>, vector<1x16xf32>,
        %get3A_186 = arith.index_cast %scan3A_159 : i32 to index
        %get3A_187 = arith.constant 32 : index
        %get3A_188 = tpu.vector_load %arg11[%get3A_186, %get3A_187] {strides = array<i32>} : memref<96x256xf32, #tpu.memory_space<vmem>>, vector<1x16xf32>,
        %get3A_189 = vector.shape_cast %get3A_188 : vector<1x16xf32> to vector<16xf32>
        %get3A_190 = arith.index_cast %scan3A_159 : i32 to index
        %get3A_191 = arith.constant 32 : index
        %get3A_192 = tpu.vector_load %arg10[%get3A_190, %get3A_191] {strides = array<i32>} : memref<96x256xf32, #tpu.memory_space<vmem>>, vector<1x16xf32>,
        %get3A_193 = vector.shape_cast %get3A_192 : vector<1x16xf32> to vector<16xf32>
        %add3A_194 = arith.addf %get3A_189, %get3A_193 : vector<16xf32>
        %swap3A_195 = arith.index_cast %scan3A_159 : i32 to index
        %swap3A_196 = arith.constant 32 : index
        %swap3A_197 = tpu.vector_load %arg11[%swap3A_195, %swap3A_196] {strides = array<i32>} : memref<96x256xf32, #tpu.memory_space<vmem>>, vector<1x16xf32>,
        %swap3A_198 = vector.shape_cast %swap3A_197 : vector<1x16xf32> to vector<16xf32>
        %swap3A_199 = vector.shape_cast %add3A_194 : vector<16xf32> to vector<1x16xf32>
        tpu.vector_store %arg11[%swap3A_195, %swap3A_196], %swap3A_199 {strides = array<i32>} : memref<96x256xf32, #tpu.memory_space<vmem>>, vector<1x16xf32>,
        %get3A_200 = arith.index_cast %scan3A_159 : i32 to index
        %get3A_201 = arith.constant 48 : index
        %get3A_202 = tpu.vector_load %arg11[%get3A_200, %get3A_201] {strides = array<i32>} : memref<96x256xf32, #tpu.memory_space<vmem>>, vector<1x16xf32>,
        %get3A_203 = vector.shape_cast %get3A_202 : vector<1x16xf32> to vector<16xf32>
        %get3A_204 = arith.index_cast %scan3A_159 : i32 to index
        %get3A_205 = arith.constant 48 : index
        %get3A_206 = tpu.vector_load %arg10[%get3A_204, %get3A_205] {strides = array<i32>} : memref<96x256xf32, #tpu.memory_space<vmem>>, vector<1x16xf32>,
        %get3A_207 = vector.shape_cast %get3A_206 : vector<1x16xf32> to vector<16xf32>
        %add3A_208 = arith.addf %get3A_203, %get3A_207 : vector<16xf32>
        %swap3A_209 = arith.index_cast %scan3A_159 : i32 to index
        %swap3A_210 = arith.constant 48 : index
        %swap3A_211 = tpu.vector_load %arg11[%swap3A_209, %swap3A_210] {strides = array<i32>} : memref<96x256xf32, #tpu.memory_space<vmem>>, vector<1x16xf32>,
        %swap3A_212 = vector.shape_cast %swap3A_211 : vector<1x16xf32> to vector<16xf32>
        %swap3A_213 = vector.shape_cast %add3A_208 : vector<16xf32> to vector<1x16xf32>
        tpu.vector_store %arg11[%swap3A_209, %swap3A_210], %swap3A_213 {strides = array<i32>} : memref<96x256xf32, #tpu.memory_space<vmem>>, vector<1x16xf32>,
        %get3A_214 = arith.index_cast %scan3A_159 : i32 to index
        %get3A_215 = arith.constant 64 : index
        %get3A_216 = tpu.vector_load %arg11[%get3A_214, %get3A_215] {strides = array<i32>} : memref<96x256xf32, #tpu.memory_space<vmem>>, vector<1x16xf32>,
        %get3A_217 = vector.shape_cast %get3A_216 : vector<1x16xf32> to vector<16xf32>
        %get3A_218 = arith.index_cast %scan3A_159 : i32 to index
        %get3A_219 = arith.constant 64 : index
        %get3A_220 = tpu.vector_load %arg10[%get3A_218, %get3A_219] {strides = array<i32>} : memref<96x256xf32, #tpu.memory_space<vmem>>, vector<1x16xf32>,
        %get3A_221 = vector.shape_cast %get3A_220 : vector<1x16xf32> to vector<16xf32>
        %add3A_222 = arith.addf %get3A_217, %get3A_221 : vector<16xf32>
        %swap3A_223 = arith.index_cast %scan3A_159 : i32 to index
        %swap3A_224 = arith.constant 64 : index
        %swap3A_225 = tpu.vector_load %arg11[%swap3A_223, %swap3A_224] {strides = array<i32>} : memref<96x256xf32, #tpu.memory_space<vmem>>, vector<1x16xf32>,
        %swap3A_226 = vector.shape_cast %swap3A_225 : vector<1x16xf32> to vector<16xf32>
        %swap3A_227 = vector.shape_cast %add3A_222 : vector<16xf32> to vector<1x16xf32>
        tpu.vector_store %arg11[%swap3A_223, %swap3A_224], %swap3A_227 {strides = array<i32>} : memref<96x256xf32, #tpu.memory_space<vmem>>, vector<1x16xf32>,
        %get3A_228 = arith.index_cast %scan3A_159 : i32 to index
        %get3A_229 = arith.constant 80 : index
        %get3A_230 = tpu.vector_load %arg11[%get3A_228, %get3A_229] {strides = array<i32>} : memref<96x256xf32, #tpu.memory_space<vmem>>, vector<1x16xf32>,
        %get3A_231 = vector.shape_cast %get3A_230 : vector<1x16xf32> to vector<16xf32>
        %get3A_232 = arith.index_cast %scan3A_159 : i32 to index
        %get3A_233 = arith.constant 80 : index
        %get3A_234 = tpu.vector_load %arg10[%get3A_232, %get3A_233] {strides = array<i32>} : memref<96x256xf32, #tpu.memory_space<vmem>>, vector<1x16xf32>,
        %get3A_235 = vector.shape_cast %get3A_234 : vector<1x16xf32> to vector<16xf32>
        %add3A_236 = arith.addf %get3A_231, %get3A_235 : vector<16xf32>
        %swap3A_237 = arith.index_cast %scan3A_159 : i32 to index
        %swap3A_238 = arith.constant 80 : index
        %swap3A_239 = tpu.vector_load %arg11[%swap3A_237, %swap3A_238] {strides = array<i32>} : memref<96x256xf32, #tpu.memory_space<vmem>>, vector<1x16xf32>,
        %swap3A_240 = vector.shape_cast %swap3A_239 : vector<1x16xf32> to vector<16xf32>
        %swap3A_241 = vector.shape_cast %add3A_236 : vector<16xf32> to vector<1x16xf32>
        tpu.vector_store %arg11[%swap3A_237, %swap3A_238], %swap3A_241 {strides = array<i32>} : memref<96x256xf32, #tpu.memory_space<vmem>>, vector<1x16xf32>,
        %get3A_242 = arith.index_cast %scan3A_159 : i32 to index
        %get3A_243 = arith.constant 96 : index
        %get3A_244 = tpu.vector_load %arg11[%get3A_242, %get3A_243] {strides = array<i32>} : memref<96x256xf32, #tpu.memory_space<vmem>>, vector<1x16xf32>,
        %get3A_245 = vector.shape_cast %get3A_244 : vector<1x16xf32> to vector<16xf32>
        %get3A_246 = arith.index_cast %scan3A_159 : i32 to index
        %get3A_247 = arith.constant 96 : index
        %get3A_248 = tpu.vector_load %arg10[%get3A_246, %get3A_247] {strides = array<i32>} : memref<96x256xf32, #tpu.memory_space<vmem>>, vector<1x16xf32>,
        %get3A_249 = vector.shape_cast %get3A_248 : vector<1x16xf32> to vector<16xf32>
        %add3A_250 = arith.addf %get3A_245, %get3A_249 : vector<16xf32>
        %swap3A_251 = arith.index_cast %scan3A_159 : i32 to index
        %swap3A_252 = arith.constant 96 : index
        %swap3A_253 = tpu.vector_load %arg11[%swap3A_251, %swap3A_252] {strides = array<i32>} : memref<96x256xf32, #tpu.memory_space<vmem>>, vector<1x16xf32>,
        %swap3A_254 = vector.shape_cast %swap3A_253 : vector<1x16xf32> to vector<16xf32>
        %swap3A_255 = vector.shape_cast %add3A_250 : vector<16xf32> to vector<1x16xf32>
        tpu.vector_store %arg11[%swap3A_251, %swap3A_252], %swap3A_255 {strides = array<i32>} : memref<96x256xf32, #tpu.memory_space<vmem>>, vector<1x16xf32>,
        %get3A_256 = arith.index_cast %scan3A_159 : i32 to index
        %get3A_257 = arith.constant 112 : index
        %get3A_258 = tpu.vector_load %arg11[%get3A_256, %get3A_257] {strides = array<i32>} : memref<96x256xf32, #tpu.memory_space<vmem>>, vector<1x16xf32>,
        %get3A_259 = vector.shape_cast %get3A_258 : vector<1x16xf32> to vector<16xf32>
        %get3A_260 = arith.index_cast %scan3A_159 : i32 to index
        %get3A_261 = arith.constant 112 : index
        %get3A_262 = tpu.vector_load %arg10[%get3A_260, %get3A_261] {strides = array<i32>} : memref<96x256xf32, #tpu.memory_space<vmem>>, vector<1x16xf32>,
        %get3A_263 = vector.shape_cast %get3A_262 : vector<1x16xf32> to vector<16xf32>
        %add3A_264 = arith.addf %get3A_259, %get3A_263 : vector<16xf32>
        %swap3A_265 = arith.index_cast %scan3A_159 : i32 to index
        %swap3A_266 = arith.constant 112 : index
        %swap3A_267 = tpu.vector_load %arg11[%swap3A_265, %swap3A_266] {strides = array<i32>} : memref<96x256xf32, #tpu.memory_space<vmem>>, vector<1x16xf32>,
        %swap3A_268 = vector.shape_cast %swap3A_267 : vector<1x16xf32> to vector<16xf32>
        %swap3A_269 = vector.shape_cast %add3A_264 : vector<16xf32> to vector<1x16xf32>
        tpu.vector_store %arg11[%swap3A_265, %swap3A_266], %swap3A_269 {strides = array<i32>} : memref<96x256xf32, #tpu.memory_space<vmem>>, vector<1x16xf32>,
        %get3A_270 = arith.index_cast %scan3A_159 : i32 to index
        %get3A_271 = arith.constant 128 : index
        %get3A_272 = tpu.vector_load %arg11[%get3A_270, %get3A_271] {strides = array<i32>} : memref<96x256xf32, #tpu.memory_space<vmem>>, vector<1x16xf32>,
        %get3A_273 = vector.shape_cast %get3A_272 : vector<1x16xf32> to vector<16xf32>
        %get3A_274 = arith.index_cast %scan3A_159 : i32 to index
        %get3A_275 = arith.constant 128 : index
        %get3A_276 = tpu.vector_load %arg10[%get3A_274, %get3A_275] {strides = array<i32>} : memref<96x256xf32, #tpu.memory_space<vmem>>, vector<1x16xf32>,
        %get3A_277 = vector.shape_cast %get3A_276 : vector<1x16xf32> to vector<16xf32>
        %add3A_278 = arith.addf %get3A_273, %get3A_277 : vector<16xf32>
        %swap3A_279 = arith.index_cast %scan3A_159 : i32 to index
        %swap3A_280 = arith.constant 128 : index
        %swap3A_281 = tpu.vector_load %arg11[%swap3A_279, %swap3A_280] {strides = array<i32>} : memref<96x256xf32, #tpu.memory_space<vmem>>, vector<1x16xf32>,
        %swap3A_282 = vector.shape_cast %swap3A_281 : vector<1x16xf32> to vector<16xf32>
        %swap3A_283 = vector.shape_cast %add3A_278 : vector<16xf32> to vector<1x16xf32>
        tpu.vector_store %arg11[%swap3A_279, %swap3A_280], %swap3A_283 {strides = array<i32>} : memref<96x256xf32, #tpu.memory_space<vmem>>, vector<1x16xf32>,
        %get3A_284 = arith.index_cast %scan3A_159 : i32 to index
        %get3A_285 = arith.constant 144 : index
        %get3A_286 = tpu.vector_load %arg11[%get3A_284, %get3A_285] {strides = array<i32>} : memref<96x256xf32, #tpu.memory_space<vmem>>, vector<1x16xf32>,
        %get3A_287 = vector.shape_cast %get3A_286 : vector<1x16xf32> to vector<16xf32>
        %get3A_288 = arith.index_cast %scan3A_159 : i32 to index
        %get3A_289 = arith.constant 144 : index
        %get3A_290 = tpu.vector_load %arg10[%get3A_288, %get3A_289] {strides = array<i32>} : memref<96x256xf32, #tpu.memory_space<vmem>>, vector<1x16xf32>,
        %get3A_291 = vector.shape_cast %get3A_290 : vector<1x16xf32> to vector<16xf32>
        %add3A_292 = arith.addf %get3A_287, %get3A_291 : vector<16xf32>
        %swap3A_293 = arith.index_cast %scan3A_159 : i32 to index
        %swap3A_294 = arith.constant 144 : index
        %swap3A_295 = tpu.vector_load %arg11[%swap3A_293, %swap3A_294] {strides = array<i32>} : memref<96x256xf32, #tpu.memory_space<vmem>>, vector<1x16xf32>,
        %swap3A_296 = vector.shape_cast %swap3A_295 : vector<1x16xf32> to vector<16xf32>
        %swap3A_297 = vector.shape_cast %add3A_292 : vector<16xf32> to vector<1x16xf32>
        tpu.vector_store %arg11[%swap3A_293, %swap3A_294], %swap3A_297 {strides = array<i32>} : memref<96x256xf32, #tpu.memory_space<vmem>>, vector<1x16xf32>,
        %get3A_298 = arith.index_cast %scan3A_159 : i32 to index
        %get3A_299 = arith.constant 160 : index
        %get3A_300 = tpu.vector_load %arg11[%get3A_298, %get3A_299] {strides = array<i32>} : memref<96x256xf32, #tpu.memory_space<vmem>>, vector<1x16xf32>,
        %get3A_301 = vector.shape_cast %get3A_300 : vector<1x16xf32> to vector<16xf32>
        %get3A_302 = arith.index_cast %scan3A_159 : i32 to index
        %get3A_303 = arith.constant 160 : index
        %get3A_304 = tpu.vector_load %arg10[%get3A_302, %get3A_303] {strides = array<i32>} : memref<96x256xf32, #tpu.memory_space<vmem>>, vector<1x16xf32>,
        %get3A_305 = vector.shape_cast %get3A_304 : vector<1x16xf32> to vector<16xf32>
        %add3A_306 = arith.addf %get3A_301, %get3A_305 : vector<16xf32>
        %swap3A_307 = arith.index_cast %scan3A_159 : i32 to index
        %swap3A_308 = arith.constant 160 : index
        %swap3A_309 = tpu.vector_load %arg11[%swap3A_307, %swap3A_308] {strides = array<i32>} : memref<96x256xf32, #tpu.memory_space<vmem>>, vector<1x16xf32>,
        %swap3A_310 = vector.shape_cast %swap3A_309 : vector<1x16xf32> to vector<16xf32>
        %swap3A_311 = vector.shape_cast %add3A_306 : vector<16xf32> to vector<1x16xf32>
        tpu.vector_store %arg11[%swap3A_307, %swap3A_308], %swap3A_311 {strides = array<i32>} : memref<96x256xf32, #tpu.memory_space<vmem>>, vector<1x16xf32>,
        %get3A_312 = arith.index_cast %scan3A_159 : i32 to index
        %get3A_313 = arith.constant 176 : index
        %get3A_314 = tpu.vector_load %arg11[%get3A_312, %get3A_313] {strides = array<i32>} : memref<96x256xf32, #tpu.memory_space<vmem>>, vector<1x16xf32>,
        %get3A_315 = vector.shape_cast %get3A_314 : vector<1x16xf32> to vector<16xf32>
        %get3A_316 = arith.index_cast %scan3A_159 : i32 to index
        %get3A_317 = arith.constant 176 : index
        %get3A_318 = tpu.vector_load %arg10[%get3A_316, %get3A_317] {strides = array<i32>} : memref<96x256xf32, #tpu.memory_space<vmem>>, vector<1x16xf32>,
        %get3A_319 = vector.shape_cast %get3A_318 : vector<1x16xf32> to vector<16xf32>
        %add3A_320 = arith.addf %get3A_315, %get3A_319 : vector<16xf32>
        %swap3A_321 = arith.index_cast %scan3A_159 : i32 to index
        %swap3A_322 = arith.constant 176 : index
        %swap3A_323 = tpu.vector_load %arg11[%swap3A_321, %swap3A_322] {strides = array<i32>} : memref<96x256xf32, #tpu.memory_space<vmem>>, vector<1x16xf32>,
        %swap3A_324 = vector.shape_cast %swap3A_323 : vector<1x16xf32> to vector<16xf32>
        %swap3A_325 = vector.shape_cast %add3A_320 : vector<16xf32> to vector<1x16xf32>
        tpu.vector_store %arg11[%swap3A_321, %swap3A_322], %swap3A_325 {strides = array<i32>} : memref<96x256xf32, #tpu.memory_space<vmem>>, vector<1x16xf32>,
        %get3A_326 = arith.index_cast %scan3A_159 : i32 to index
        %get3A_327 = arith.constant 192 : index
        %get3A_328 = tpu.vector_load %arg11[%get3A_326, %get3A_327] {strides = array<i32>} : memref<96x256xf32, #tpu.memory_space<vmem>>, vector<1x16xf32>,
        %get3A_329 = vector.shape_cast %get3A_328 : vector<1x16xf32> to vector<16xf32>
        %get3A_330 = arith.index_cast %scan3A_159 : i32 to index
        %get3A_331 = arith.constant 192 : index
        %get3A_332 = tpu.vector_load %arg10[%get3A_330, %get3A_331] {strides = array<i32>} : memref<96x256xf32, #tpu.memory_space<vmem>>, vector<1x16xf32>,
        %get3A_333 = vector.shape_cast %get3A_332 : vector<1x16xf32> to vector<16xf32>
        %add3A_334 = arith.addf %get3A_329, %get3A_333 : vector<16xf32>
        %swap3A_335 = arith.index_cast %scan3A_159 : i32 to index
        %swap3A_336 = arith.constant 192 : index
        %swap3A_337 = tpu.vector_load %arg11[%swap3A_335, %swap3A_336] {strides = array<i32>} : memref<96x256xf32, #tpu.memory_space<vmem>>, vector<1x16xf32>,
        %swap3A_338 = vector.shape_cast %swap3A_337 : vector<1x16xf32> to vector<16xf32>
        %swap3A_339 = vector.shape_cast %add3A_334 : vector<16xf32> to vector<1x16xf32>
        tpu.vector_store %arg11[%swap3A_335, %swap3A_336], %swap3A_339 {strides = array<i32>} : memref<96x256xf32, #tpu.memory_space<vmem>>, vector<1x16xf32>,
        %get3A_340 = arith.index_cast %scan3A_159 : i32 to index
        %get3A_341 = arith.constant 208 : index
        %get3A_342 = tpu.vector_load %arg11[%get3A_340, %get3A_341] {strides = array<i32>} : memref<96x256xf32, #tpu.memory_space<vmem>>, vector<1x16xf32>,
        %get3A_343 = vector.shape_cast %get3A_342 : vector<1x16xf32> to vector<16xf32>
        %get3A_344 = arith.index_cast %scan3A_159 : i32 to index
        %get3A_345 = arith.constant 208 : index
        %get3A_346 = tpu.vector_load %arg10[%get3A_344, %get3A_345] {strides = array<i32>} : memref<96x256xf32, #tpu.memory_space<vmem>>, vector<1x16xf32>,
        %get3A_347 = vector.shape_cast %get3A_346 : vector<1x16xf32> to vector<16xf32>
        %add3A_348 = arith.addf %get3A_343, %get3A_347 : vector<16xf32>
        %swap3A_349 = arith.index_cast %scan3A_159 : i32 to index
        %swap3A_350 = arith.constant 208 : index
        %swap3A_351 = tpu.vector_load %arg11[%swap3A_349, %swap3A_350] {strides = array<i32>} : memref<96x256xf32, #tpu.memory_space<vmem>>, vector<1x16xf32>,
        %swap3A_352 = vector.shape_cast %swap3A_351 : vector<1x16xf32> to vector<16xf32>
        %swap3A_353 = vector.shape_cast %add3A_348 : vector<16xf32> to vector<1x16xf32>
        tpu.vector_store %arg11[%swap3A_349, %swap3A_350], %swap3A_353 {strides = array<i32>} : memref<96x256xf32, #tpu.memory_space<vmem>>, vector<1x16xf32>,
        %get3A_354 = arith.index_cast %scan3A_159 : i32 to index
        %get3A_355 = arith.constant 224 : index
        %get3A_356 = tpu.vector_load %arg11[%get3A_354, %get3A_355] {strides = array<i32>} : memref<96x256xf32, #tpu.memory_space<vmem>>, vector<1x16xf32>,
        %get3A_357 = vector.shape_cast %get3A_356 : vector<1x16xf32> to vector<16xf32>
        %get3A_358 = arith.index_cast %scan3A_159 : i32 to index
        %get3A_359 = arith.constant 224 : index
        %get3A_360 = tpu.vector_load %arg10[%get3A_358, %get3A_359] {strides = array<i32>} : memref<96x256xf32, #tpu.memory_space<vmem>>, vector<1x16xf32>,
        %get3A_361 = vector.shape_cast %get3A_360 : vector<1x16xf32> to vector<16xf32>
        %add3A_362 = arith.addf %get3A_357, %get3A_361 : vector<16xf32>
        %swap3A_363 = arith.index_cast %scan3A_159 : i32 to index
        %swap3A_364 = arith.constant 224 : index
        %swap3A_365 = tpu.vector_load %arg11[%swap3A_363, %swap3A_364] {strides = array<i32>} : memref<96x256xf32, #tpu.memory_space<vmem>>, vector<1x16xf32>,
        %swap3A_366 = vector.shape_cast %swap3A_365 : vector<1x16xf32> to vector<16xf32>
        %swap3A_367 = vector.shape_cast %add3A_362 : vector<16xf32> to vector<1x16xf32>
        tpu.vector_store %arg11[%swap3A_363, %swap3A_364], %swap3A_367 {strides = array<i32>} : memref<96x256xf32, #tpu.memory_space<vmem>>, vector<1x16xf32>,
        %get3A_368 = arith.index_cast %scan3A_159 : i32 to index
        %get3A_369 = arith.constant 240 : index
        %get3A_370 = tpu.vector_load %arg11[%get3A_368, %get3A_369] {strides = array<i32>} : memref<96x256xf32, #tpu.memory_space<vmem>>, vector<1x16xf32>,
        %get3A_371 = vector.shape_cast %get3A_370 : vector<1x16xf32> to vector<16xf32>
        %get3A_372 = arith.index_cast %scan3A_159 : i32 to index
        %get3A_373 = arith.constant 240 : index
        %get3A_374 = tpu.vector_load %arg10[%get3A_372, %get3A_373] {strides = array<i32>} : memref<96x256xf32, #tpu.memory_space<vmem>>, vector<1x16xf32>,
        %get3A_375 = vector.shape_cast %get3A_374 : vector<1x16xf32> to vector<16xf32>
        %add3A_376 = arith.addf %get3A_371, %get3A_375 : vector<16xf32>
        %swap3A_377 = arith.index_cast %scan3A_159 : i32 to index
        %swap3A_378 = arith.constant 240 : index
        %swap3A_379 = tpu.vector_load %arg11[%swap3A_377, %swap3A_378] {strides = array<i32>} : memref<96x256xf32, #tpu.memory_space<vmem>>, vector<1x16xf32>,
        %swap3A_380 = vector.shape_cast %swap3A_379 : vector<1x16xf32> to vector<16xf32>
        %swap3A_381 = vector.shape_cast %add3A_376 : vector<16xf32> to vector<1x16xf32>
        tpu.vector_store %arg11[%swap3A_377, %swap3A_378], %swap3A_381 {strides = array<i32>} : memref<96x256xf32, #tpu.memory_space<vmem>>, vector<1x16xf32>,
      }
      %scan3A_80 = arith.constant 96 : i32
      %add3A_81 = arith.constant 0 : i32
      %add3A_82 = arith.addi %mul3A_32, %add3A_81 : i32
      %mul3A_83 = arith.constant 16 : i32
      %mul3A_84 = arith.muli %add3A_82, %mul3A_83 : i32
      %add3A_85 = arith.addi %mul3A_84, %select_n3A_9 : i32
      "tpu.region"() ({
        %run_scoped3A = tpu.sem_alloc : memref<!tpu.dma_semaphore, #tpu.memory_space<semaphore_mem>>
        %dma_start3A_159 = arith.constant 0 : i32
        %dma_start3A_160 = tpu.memref_slice %arg6[%add3A_85, %mul3A_42, %dma_start3A_159] : memref<128x2304x256xf32, #tpu.memory_space<hbm>> -> memref<1x96x256xf32, #tpu.memory_space<hbm>>
        %dma_start3A_161 = tpu.memref_squeeze %dma_start3A_160 : memref<1x96x256xf32, #tpu.memory_space<hbm>> -> memref<96x256xf32, #tpu.memory_space<hbm>>
        %dma_start3A_162 = arith.constant 0 : i32
        %dma_start3A_163 = tpu.memref_slice %arg6[%add3A_85, %mul3A_42, %dma_start3A_162] : memref<128x2304x256xf32, #tpu.memory_space<hbm>> -> memref<1x96x256xf32, #tpu.memory_space<hbm>>
        %dma_start3A_164 = tpu.memref_squeeze %dma_start3A_163 : memref<1x96x256xf32, #tpu.memory_space<hbm>> -> memref<96x256xf32, #tpu.memory_space<hbm>>
        tpu.enqueue_dma source(%arg11 : memref<96x256xf32, #tpu.memory_space<vmem>>) target(%dma_start3A_164 : memref<96x256xf32, #tpu.memory_space<hbm>>) target_semaphore(%run_scoped3A : memref<!tpu.dma_semaphore, #tpu.memory_space<semaphore_mem>>)
        %dma_wait3A_165 = arith.constant 0 : i32
        %dma_wait3A_166 = tpu.memref_slice %arg6[%add3A_85, %mul3A_42, %dma_wait3A_165] : memref<128x2304x256xf32, #tpu.memory_space<hbm>> -> memref<1x96x256xf32, #tpu.memory_space<hbm>>
        %dma_wait3A_167 = tpu.memref_squeeze %dma_wait3A_166 : memref<1x96x256xf32, #tpu.memory_space<hbm>> -> memref<96x256xf32, #tpu.memory_space<hbm>>
        %dma_wait3A_168 = arith.constant 0 : i32
        %dma_wait3A_169 = tpu.memref_slice %arg6[%add3A_85, %mul3A_42, %dma_wait3A_168] : memref<128x2304x256xf32, #tpu.memory_space<hbm>> -> memref<1x96x256xf32, #tpu.memory_space<hbm>>
        %dma_wait3A_170 = tpu.memref_squeeze %dma_wait3A_169 : memref<1x96x256xf32, #tpu.memory_space<hbm>> -> memref<96x256xf32, #tpu.memory_space<hbm>>
        tpu.wait_dma2 semaphore(%run_scoped3A : memref<!tpu.dma_semaphore, #tpu.memory_space<semaphore_mem>>) src(%arg11 : memref<96x256xf32, #tpu.memory_space<vmem>>) dst(%dma_wait3A_170 : memref<96x256xf32, #tpu.memory_space<hbm>>)
        tpu.yield
      }) : () -> ()
      %add3A_86 = arith.constant 2 : i32
      %add3A_87 = arith.addi %mul3A_32, %add3A_86 : i32
      %mul3A_88 = arith.constant 16 : i32
      %mul3A_89 = arith.muli %add3A_87, %mul3A_88 : i32
      %add3A_90 = arith.addi %mul3A_89, %select_n3A_9 : i32
      %dma_start3A_91 = arith.constant 0 : i32
      %dma_start3A_92 = tpu.memref_slice %arg2[%add3A_90, %mul3A_42, %dma_start3A_91] : memref<128x2304x256xf32, #tpu.memory_space<hbm>> -> memref<1x96x256xf32, #tpu.memory_space<hbm>>
      %dma_start3A_93 = tpu.memref_squeeze %dma_start3A_92 : memref<1x96x256xf32, #tpu.memory_space<hbm>> -> memref<96x256xf32, #tpu.memory_space<hbm>>
      %dma_start3A_94 = arith.constant 0 : i32
      %dma_start3A_95 = tpu.memref_slice %arg2[%add3A_90, %mul3A_42, %dma_start3A_94] : memref<128x2304x256xf32, #tpu.memory_space<hbm>> -> memref<1x96x256xf32, #tpu.memory_space<hbm>>
      %dma_start3A_96 = tpu.memref_squeeze %dma_start3A_95 : memref<1x96x256xf32, #tpu.memory_space<hbm>> -> memref<96x256xf32, #tpu.memory_space<hbm>>
      tpu.enqueue_dma source(%dma_start3A_96 : memref<96x256xf32, #tpu.memory_space<hbm>>) target(%arg11 : memref<96x256xf32, #tpu.memory_space<vmem>>) target_semaphore(%arg13 : memref<!tpu.dma_semaphore, #tpu.memory_space<semaphore_mem>>)
      %dma_wait3A_97 = arith.constant 0 : i32
      %dma_wait3A_98 = tpu.memref_slice %arg2[%add3A_63, %mul3A_42, %dma_wait3A_97] : memref<128x2304x256xf32, #tpu.memory_space<hbm>> -> memref<1x96x256xf32, #tpu.memory_space<hbm>>
      %dma_wait3A_99 = tpu.memref_squeeze %dma_wait3A_98 : memref<1x96x256xf32, #tpu.memory_space<hbm>> -> memref<96x256xf32, #tpu.memory_space<hbm>>
      %dma_wait3A_100 = arith.constant 0 : i32
      %dma_wait3A_101 = tpu.memref_slice %arg2[%add3A_63, %mul3A_42, %dma_wait3A_100] : memref<128x2304x256xf32, #tpu.memory_space<hbm>> -> memref<1x96x256xf32, #tpu.memory_space<hbm>>
      %dma_wait3A_102 = tpu.memref_squeeze %dma_wait3A_101 : memref<1x96x256xf32, #tpu.memory_space<hbm>> -> memref<96x256xf32, #tpu.memory_space<hbm>>
      tpu.wait_dma2 semaphore(%arg14 : memref<!tpu.dma_semaphore, #tpu.memory_space<semaphore_mem>>) src(%dma_wait3A_102 : memref<96x256xf32, #tpu.memory_space<hbm>>) dst(%arg12 : memref<96x256xf32, #tpu.memory_space<vmem>>)
      %scan3A_103 = arith.constant 0 : i32
      %scan3A_104 = arith.constant 0 : i32
      %scan3A_105 = arith.constant 96 : i32
      %scan3A_106 = arith.addi %scan3A_104, %scan3A_105 : i32
      %scan3A_107 = arith.constant 1 : i32
      scf.for %scan3A_159 = %scan3A_104 to %scan3A_106 step %scan3A_107  : i32 {
        %get3A = arith.index_cast %scan3A_159 : i32 to index
        %get3A_160 = arith.constant 0 : index
        %get3A_161 = tpu.vector_load %arg12[%get3A, %get3A_160] {strides = array<i32>} : memref<96x256xf32, #tpu.memory_space<vmem>>, vector<1x16xf32>,
        %get3A_162 = vector.shape_cast %get3A_161 : vector<1x16xf32> to vector<16xf32>
        %get3A_163 = arith.index_cast %scan3A_159 : i32 to index
        %get3A_164 = arith.constant 0 : index
        %get3A_165 = tpu.vector_load %arg10[%get3A_163, %get3A_164] {strides = array<i32>} : memref<96x256xf32, #tpu.memory_space<vmem>>, vector<1x16xf32>,
        %get3A_166 = vector.shape_cast %get3A_165 : vector<1x16xf32> to vector<16xf32>
        %add3A_167 = arith.addf %get3A_162, %get3A_166 : vector<16xf32>
        %swap3A = arith.index_cast %scan3A_159 : i32 to index
        %swap3A_168 = arith.constant 0 : index
        %swap3A_169 = tpu.vector_load %arg12[%swap3A, %swap3A_168] {strides = array<i32>} : memref<96x256xf32, #tpu.memory_space<vmem>>, vector<1x16xf32>,
        %swap3A_170 = vector.shape_cast %swap3A_169 : vector<1x16xf32> to vector<16xf32>
        %swap3A_171 = vector.shape_cast %add3A_167 : vector<16xf32> to vector<1x16xf32>
        tpu.vector_store %arg12[%swap3A, %swap3A_168], %swap3A_171 {strides = array<i32>} : memref<96x256xf32, #tpu.memory_space<vmem>>, vector<1x16xf32>,
        %get3A_172 = arith.index_cast %scan3A_159 : i32 to index
        %get3A_173 = arith.constant 16 : index
        %get3A_174 = tpu.vector_load %arg12[%get3A_172, %get3A_173] {strides = array<i32>} : memref<96x256xf32, #tpu.memory_space<vmem>>, vector<1x16xf32>,
        %get3A_175 = vector.shape_cast %get3A_174 : vector<1x16xf32> to vector<16xf32>
        %get3A_176 = arith.index_cast %scan3A_159 : i32 to index
        %get3A_177 = arith.constant 16 : index
        %get3A_178 = tpu.vector_load %arg10[%get3A_176, %get3A_177] {strides = array<i32>} : memref<96x256xf32, #tpu.memory_space<vmem>>, vector<1x16xf32>,
        %get3A_179 = vector.shape_cast %get3A_178 : vector<1x16xf32> to vector<16xf32>
        %add3A_180 = arith.addf %get3A_175, %get3A_179 : vector<16xf32>
        %swap3A_181 = arith.index_cast %scan3A_159 : i32 to index
        %swap3A_182 = arith.constant 16 : index
        %swap3A_183 = tpu.vector_load %arg12[%swap3A_181, %swap3A_182] {strides = array<i32>} : memref<96x256xf32, #tpu.memory_space<vmem>>, vector<1x16xf32>,
        %swap3A_184 = vector.shape_cast %swap3A_183 : vector<1x16xf32> to vector<16xf32>
        %swap3A_185 = vector.shape_cast %add3A_180 : vector<16xf32> to vector<1x16xf32>
        tpu.vector_store %arg12[%swap3A_181, %swap3A_182], %swap3A_185 {strides = array<i32>} : memref<96x256xf32, #tpu.memory_space<vmem>>, vector<1x16xf32>,
        %get3A_186 = arith.index_cast %scan3A_159 : i32 to index
        %get3A_187 = arith.constant 32 : index
        %get3A_188 = tpu.vector_load %arg12[%get3A_186, %get3A_187] {strides = array<i32>} : memref<96x256xf32, #tpu.memory_space<vmem>>, vector<1x16xf32>,
        %get3A_189 = vector.shape_cast %get3A_188 : vector<1x16xf32> to vector<16xf32>
        %get3A_190 = arith.index_cast %scan3A_159 : i32 to index
        %get3A_191 = arith.constant 32 : index
        %get3A_192 = tpu.vector_load %arg10[%get3A_190, %get3A_191] {strides = array<i32>} : memref<96x256xf32, #tpu.memory_space<vmem>>, vector<1x16xf32>,
        %get3A_193 = vector.shape_cast %get3A_192 : vector<1x16xf32> to vector<16xf32>
        %add3A_194 = arith.addf %get3A_189, %get3A_193 : vector<16xf32>
        %swap3A_195 = arith.index_cast %scan3A_159 : i32 to index
        %swap3A_196 = arith.constant 32 : index
        %swap3A_197 = tpu.vector_load %arg12[%swap3A_195, %swap3A_196] {strides = array<i32>} : memref<96x256xf32, #tpu.memory_space<vmem>>, vector<1x16xf32>,
        %swap3A_198 = vector.shape_cast %swap3A_197 : vector<1x16xf32> to vector<16xf32>
        %swap3A_199 = vector.shape_cast %add3A_194 : vector<16xf32> to vector<1x16xf32>
        tpu.vector_store %arg12[%swap3A_195, %swap3A_196], %swap3A_199 {strides = array<i32>} : memref<96x256xf32, #tpu.memory_space<vmem>>, vector<1x16xf32>,
        %get3A_200 = arith.index_cast %scan3A_159 : i32 to index
        %get3A_201 = arith.constant 48 : index
        %get3A_202 = tpu.vector_load %arg12[%get3A_200, %get3A_201] {strides = array<i32>} : memref<96x256xf32, #tpu.memory_space<vmem>>, vector<1x16xf32>,
        %get3A_203 = vector.shape_cast %get3A_202 : vector<1x16xf32> to vector<16xf32>
        %get3A_204 = arith.index_cast %scan3A_159 : i32 to index
        %get3A_205 = arith.constant 48 : index
        %get3A_206 = tpu.vector_load %arg10[%get3A_204, %get3A_205] {strides = array<i32>} : memref<96x256xf32, #tpu.memory_space<vmem>>, vector<1x16xf32>,
        %get3A_207 = vector.shape_cast %get3A_206 : vector<1x16xf32> to vector<16xf32>
        %add3A_208 = arith.addf %get3A_203, %get3A_207 : vector<16xf32>
        %swap3A_209 = arith.index_cast %scan3A_159 : i32 to index
        %swap3A_210 = arith.constant 48 : index
        %swap3A_211 = tpu.vector_load %arg12[%swap3A_209, %swap3A_210] {strides = array<i32>} : memref<96x256xf32, #tpu.memory_space<vmem>>, vector<1x16xf32>,
        %swap3A_212 = vector.shape_cast %swap3A_211 : vector<1x16xf32> to vector<16xf32>
        %swap3A_213 = vector.shape_cast %add3A_208 : vector<16xf32> to vector<1x16xf32>
        tpu.vector_store %arg12[%swap3A_209, %swap3A_210], %swap3A_213 {strides = array<i32>} : memref<96x256xf32, #tpu.memory_space<vmem>>, vector<1x16xf32>,
        %get3A_214 = arith.index_cast %scan3A_159 : i32 to index
        %get3A_215 = arith.constant 64 : index
        %get3A_216 = tpu.vector_load %arg12[%get3A_214, %get3A_215] {strides = array<i32>} : memref<96x256xf32, #tpu.memory_space<vmem>>, vector<1x16xf32>,
        %get3A_217 = vector.shape_cast %get3A_216 : vector<1x16xf32> to vector<16xf32>
        %get3A_218 = arith.index_cast %scan3A_159 : i32 to index
        %get3A_219 = arith.constant 64 : index
        %get3A_220 = tpu.vector_load %arg10[%get3A_218, %get3A_219] {strides = array<i32>} : memref<96x256xf32, #tpu.memory_space<vmem>>, vector<1x16xf32>,
        %get3A_221 = vector.shape_cast %get3A_220 : vector<1x16xf32> to vector<16xf32>
        %add3A_222 = arith.addf %get3A_217, %get3A_221 : vector<16xf32>
        %swap3A_223 = arith.index_cast %scan3A_159 : i32 to index
        %swap3A_224 = arith.constant 64 : index
        %swap3A_225 = tpu.vector_load %arg12[%swap3A_223, %swap3A_224] {strides = array<i32>} : memref<96x256xf32, #tpu.memory_space<vmem>>, vector<1x16xf32>,
        %swap3A_226 = vector.shape_cast %swap3A_225 : vector<1x16xf32> to vector<16xf32>
        %swap3A_227 = vector.shape_cast %add3A_222 : vector<16xf32> to vector<1x16xf32>
        tpu.vector_store %arg12[%swap3A_223, %swap3A_224], %swap3A_227 {strides = array<i32>} : memref<96x256xf32, #tpu.memory_space<vmem>>, vector<1x16xf32>,
        %get3A_228 = arith.index_cast %scan3A_159 : i32 to index
        %get3A_229 = arith.constant 80 : index
        %get3A_230 = tpu.vector_load %arg12[%get3A_228, %get3A_229] {strides = array<i32>} : memref<96x256xf32, #tpu.memory_space<vmem>>, vector<1x16xf32>,
        %get3A_231 = vector.shape_cast %get3A_230 : vector<1x16xf32> to vector<16xf32>
        %get3A_232 = arith.index_cast %scan3A_159 : i32 to index
        %get3A_233 = arith.constant 80 : index
        %get3A_234 = tpu.vector_load %arg10[%get3A_232, %get3A_233] {strides = array<i32>} : memref<96x256xf32, #tpu.memory_space<vmem>>, vector<1x16xf32>,
        %get3A_235 = vector.shape_cast %get3A_234 : vector<1x16xf32> to vector<16xf32>
        %add3A_236 = arith.addf %get3A_231, %get3A_235 : vector<16xf32>
        %swap3A_237 = arith.index_cast %scan3A_159 : i32 to index
        %swap3A_238 = arith.constant 80 : index
        %swap3A_239 = tpu.vector_load %arg12[%swap3A_237, %swap3A_238] {strides = array<i32>} : memref<96x256xf32, #tpu.memory_space<vmem>>, vector<1x16xf32>,
        %swap3A_240 = vector.shape_cast %swap3A_239 : vector<1x16xf32> to vector<16xf32>
        %swap3A_241 = vector.shape_cast %add3A_236 : vector<16xf32> to vector<1x16xf32>
        tpu.vector_store %arg12[%swap3A_237, %swap3A_238], %swap3A_241 {strides = array<i32>} : memref<96x256xf32, #tpu.memory_space<vmem>>, vector<1x16xf32>,
        %get3A_242 = arith.index_cast %scan3A_159 : i32 to index
        %get3A_243 = arith.constant 96 : index
        %get3A_244 = tpu.vector_load %arg12[%get3A_242, %get3A_243] {strides = array<i32>} : memref<96x256xf32, #tpu.memory_space<vmem>>, vector<1x16xf32>,
        %get3A_245 = vector.shape_cast %get3A_244 : vector<1x16xf32> to vector<16xf32>
        %get3A_246 = arith.index_cast %scan3A_159 : i32 to index
        %get3A_247 = arith.constant 96 : index
        %get3A_248 = tpu.vector_load %arg10[%get3A_246, %get3A_247] {strides = array<i32>} : memref<96x256xf32, #tpu.memory_space<vmem>>, vector<1x16xf32>,
        %get3A_249 = vector.shape_cast %get3A_248 : vector<1x16xf32> to vector<16xf32>
        %add3A_250 = arith.addf %get3A_245, %get3A_249 : vector<16xf32>
        %swap3A_251 = arith.index_cast %scan3A_159 : i32 to index
        %swap3A_252 = arith.constant 96 : index
        %swap3A_253 = tpu.vector_load %arg12[%swap3A_251, %swap3A_252] {strides = array<i32>} : memref<96x256xf32, #tpu.memory_space<vmem>>, vector<1x16xf32>,
        %swap3A_254 = vector.shape_cast %swap3A_253 : vector<1x16xf32> to vector<16xf32>
        %swap3A_255 = vector.shape_cast %add3A_250 : vector<16xf32> to vector<1x16xf32>
        tpu.vector_store %arg12[%swap3A_251, %swap3A_252], %swap3A_255 {strides = array<i32>} : memref<96x256xf32, #tpu.memory_space<vmem>>, vector<1x16xf32>,
        %get3A_256 = arith.index_cast %scan3A_159 : i32 to index
        %get3A_257 = arith.constant 112 : index
        %get3A_258 = tpu.vector_load %arg12[%get3A_256, %get3A_257] {strides = array<i32>} : memref<96x256xf32, #tpu.memory_space<vmem>>, vector<1x16xf32>,
        %get3A_259 = vector.shape_cast %get3A_258 : vector<1x16xf32> to vector<16xf32>
        %get3A_260 = arith.index_cast %scan3A_159 : i32 to index
        %get3A_261 = arith.constant 112 : index
        %get3A_262 = tpu.vector_load %arg10[%get3A_260, %get3A_261] {strides = array<i32>} : memref<96x256xf32, #tpu.memory_space<vmem>>, vector<1x16xf32>,
        %get3A_263 = vector.shape_cast %get3A_262 : vector<1x16xf32> to vector<16xf32>
        %add3A_264 = arith.addf %get3A_259, %get3A_263 : vector<16xf32>
        %swap3A_265 = arith.index_cast %scan3A_159 : i32 to index
        %swap3A_266 = arith.constant 112 : index
        %swap3A_267 = tpu.vector_load %arg12[%swap3A_265, %swap3A_266] {strides = array<i32>} : memref<96x256xf32, #tpu.memory_space<vmem>>, vector<1x16xf32>,
        %swap3A_268 = vector.shape_cast %swap3A_267 : vector<1x16xf32> to vector<16xf32>
        %swap3A_269 = vector.shape_cast %add3A_264 : vector<16xf32> to vector<1x16xf32>
        tpu.vector_store %arg12[%swap3A_265, %swap3A_266], %swap3A_269 {strides = array<i32>} : memref<96x256xf32, #tpu.memory_space<vmem>>, vector<1x16xf32>,
        %get3A_270 = arith.index_cast %scan3A_159 : i32 to index
        %get3A_271 = arith.constant 128 : index
        %get3A_272 = tpu.vector_load %arg12[%get3A_270, %get3A_271] {strides = array<i32>} : memref<96x256xf32, #tpu.memory_space<vmem>>, vector<1x16xf32>,
        %get3A_273 = vector.shape_cast %get3A_272 : vector<1x16xf32> to vector<16xf32>
        %get3A_274 = arith.index_cast %scan3A_159 : i32 to index
        %get3A_275 = arith.constant 128 : index
        %get3A_276 = tpu.vector_load %arg10[%get3A_274, %get3A_275] {strides = array<i32>} : memref<96x256xf32, #tpu.memory_space<vmem>>, vector<1x16xf32>,
        %get3A_277 = vector.shape_cast %get3A_276 : vector<1x16xf32> to vector<16xf32>
        %add3A_278 = arith.addf %get3A_273, %get3A_277 : vector<16xf32>
        %swap3A_279 = arith.index_cast %scan3A_159 : i32 to index
        %swap3A_280 = arith.constant 128 : index
        %swap3A_281 = tpu.vector_load %arg12[%swap3A_279, %swap3A_280] {strides = array<i32>} : memref<96x256xf32, #tpu.memory_space<vmem>>, vector<1x16xf32>,
        %swap3A_282 = vector.shape_cast %swap3A_281 : vector<1x16xf32> to vector<16xf32>
        %swap3A_283 = vector.shape_cast %add3A_278 : vector<16xf32> to vector<1x16xf32>
        tpu.vector_store %arg12[%swap3A_279, %swap3A_280], %swap3A_283 {strides = array<i32>} : memref<96x256xf32, #tpu.memory_space<vmem>>, vector<1x16xf32>,
        %get3A_284 = arith.index_cast %scan3A_159 : i32 to index
        %get3A_285 = arith.constant 144 : index
        %get3A_286 = tpu.vector_load %arg12[%get3A_284, %get3A_285] {strides = array<i32>} : memref<96x256xf32, #tpu.memory_space<vmem>>, vector<1x16xf32>,
        %get3A_287 = vector.shape_cast %get3A_286 : vector<1x16xf32> to vector<16xf32>
        %get3A_288 = arith.index_cast %scan3A_159 : i32 to index
        %get3A_289 = arith.constant 144 : index
        %get3A_290 = tpu.vector_load %arg10[%get3A_288, %get3A_289] {strides = array<i32>} : memref<96x256xf32, #tpu.memory_space<vmem>>, vector<1x16xf32>,
        %get3A_291 = vector.shape_cast %get3A_290 : vector<1x16xf32> to vector<16xf32>
        %add3A_292 = arith.addf %get3A_287, %get3A_291 : vector<16xf32>
        %swap3A_293 = arith.index_cast %scan3A_159 : i32 to index
        %swap3A_294 = arith.constant 144 : index
        %swap3A_295 = tpu.vector_load %arg12[%swap3A_293, %swap3A_294] {strides = array<i32>} : memref<96x256xf32, #tpu.memory_space<vmem>>, vector<1x16xf32>,
        %swap3A_296 = vector.shape_cast %swap3A_295 : vector<1x16xf32> to vector<16xf32>
        %swap3A_297 = vector.shape_cast %add3A_292 : vector<16xf32> to vector<1x16xf32>
        tpu.vector_store %arg12[%swap3A_293, %swap3A_294], %swap3A_297 {strides = array<i32>} : memref<96x256xf32, #tpu.memory_space<vmem>>, vector<1x16xf32>,
        %get3A_298 = arith.index_cast %scan3A_159 : i32 to index
        %get3A_299 = arith.constant 160 : index
        %get3A_300 = tpu.vector_load %arg12[%get3A_298, %get3A_299] {strides = array<i32>} : memref<96x256xf32, #tpu.memory_space<vmem>>, vector<1x16xf32>,
        %get3A_301 = vector.shape_cast %get3A_300 : vector<1x16xf32> to vector<16xf32>
        %get3A_302 = arith.index_cast %scan3A_159 : i32 to index
        %get3A_303 = arith.constant 160 : index
        %get3A_304 = tpu.vector_load %arg10[%get3A_302, %get3A_303] {strides = array<i32>} : memref<96x256xf32, #tpu.memory_space<vmem>>, vector<1x16xf32>,
        %get3A_305 = vector.shape_cast %get3A_304 : vector<1x16xf32> to vector<16xf32>
        %add3A_306 = arith.addf %get3A_301, %get3A_305 : vector<16xf32>
        %swap3A_307 = arith.index_cast %scan3A_159 : i32 to index
        %swap3A_308 = arith.constant 160 : index
        %swap3A_309 = tpu.vector_load %arg12[%swap3A_307, %swap3A_308] {strides = array<i32>} : memref<96x256xf32, #tpu.memory_space<vmem>>, vector<1x16xf32>,
        %swap3A_310 = vector.shape_cast %swap3A_309 : vector<1x16xf32> to vector<16xf32>
        %swap3A_311 = vector.shape_cast %add3A_306 : vector<16xf32> to vector<1x16xf32>
        tpu.vector_store %arg12[%swap3A_307, %swap3A_308], %swap3A_311 {strides = array<i32>} : memref<96x256xf32, #tpu.memory_space<vmem>>, vector<1x16xf32>,
        %get3A_312 = arith.index_cast %scan3A_159 : i32 to index
        %get3A_313 = arith.constant 176 : index
        %get3A_314 = tpu.vector_load %arg12[%get3A_312, %get3A_313] {strides = array<i32>} : memref<96x256xf32, #tpu.memory_space<vmem>>, vector<1x16xf32>,
        %get3A_315 = vector.shape_cast %get3A_314 : vector<1x16xf32> to vector<16xf32>
        %get3A_316 = arith.index_cast %scan3A_159 : i32 to index
        %get3A_317 = arith.constant 176 : index
        %get3A_318 = tpu.vector_load %arg10[%get3A_316, %get3A_317] {strides = array<i32>} : memref<96x256xf32, #tpu.memory_space<vmem>>, vector<1x16xf32>,
        %get3A_319 = vector.shape_cast %get3A_318 : vector<1x16xf32> to vector<16xf32>
        %add3A_320 = arith.addf %get3A_315, %get3A_319 : vector<16xf32>
        %swap3A_321 = arith.index_cast %scan3A_159 : i32 to index
        %swap3A_322 = arith.constant 176 : index
        %swap3A_323 = tpu.vector_load %arg12[%swap3A_321, %swap3A_322] {strides = array<i32>} : memref<96x256xf32, #tpu.memory_space<vmem>>, vector<1x16xf32>,
        %swap3A_324 = vector.shape_cast %swap3A_323 : vector<1x16xf32> to vector<16xf32>
        %swap3A_325 = vector.shape_cast %add3A_320 : vector<16xf32> to vector<1x16xf32>
        tpu.vector_store %arg12[%swap3A_321, %swap3A_322], %swap3A_325 {strides = array<i32>} : memref<96x256xf32, #tpu.memory_space<vmem>>, vector<1x16xf32>,
        %get3A_326 = arith.index_cast %scan3A_159 : i32 to index
        %get3A_327 = arith.constant 192 : index
        %get3A_328 = tpu.vector_load %arg12[%get3A_326, %get3A_327] {strides = array<i32>} : memref<96x256xf32, #tpu.memory_space<vmem>>, vector<1x16xf32>,
        %get3A_329 = vector.shape_cast %get3A_328 : vector<1x16xf32> to vector<16xf32>
        %get3A_330 = arith.index_cast %scan3A_159 : i32 to index
        %get3A_331 = arith.constant 192 : index
        %get3A_332 = tpu.vector_load %arg10[%get3A_330, %get3A_331] {strides = array<i32>} : memref<96x256xf32, #tpu.memory_space<vmem>>, vector<1x16xf32>,
        %get3A_333 = vector.shape_cast %get3A_332 : vector<1x16xf32> to vector<16xf32>
        %add3A_334 = arith.addf %get3A_329, %get3A_333 : vector<16xf32>
        %swap3A_335 = arith.index_cast %scan3A_159 : i32 to index
        %swap3A_336 = arith.constant 192 : index
        %swap3A_337 = tpu.vector_load %arg12[%swap3A_335, %swap3A_336] {strides = array<i32>} : memref<96x256xf32, #tpu.memory_space<vmem>>, vector<1x16xf32>,
        %swap3A_338 = vector.shape_cast %swap3A_337 : vector<1x16xf32> to vector<16xf32>
        %swap3A_339 = vector.shape_cast %add3A_334 : vector<16xf32> to vector<1x16xf32>
        tpu.vector_store %arg12[%swap3A_335, %swap3A_336], %swap3A_339 {strides = array<i32>} : memref<96x256xf32, #tpu.memory_space<vmem>>, vector<1x16xf32>,
        %get3A_340 = arith.index_cast %scan3A_159 : i32 to index
        %get3A_341 = arith.constant 208 : index
        %get3A_342 = tpu.vector_load %arg12[%get3A_340, %get3A_341] {strides = array<i32>} : memref<96x256xf32, #tpu.memory_space<vmem>>, vector<1x16xf32>,
        %get3A_343 = vector.shape_cast %get3A_342 : vector<1x16xf32> to vector<16xf32>
        %get3A_344 = arith.index_cast %scan3A_159 : i32 to index
        %get3A_345 = arith.constant 208 : index
        %get3A_346 = tpu.vector_load %arg10[%get3A_344, %get3A_345] {strides = array<i32>} : memref<96x256xf32, #tpu.memory_space<vmem>>, vector<1x16xf32>,
        %get3A_347 = vector.shape_cast %get3A_346 : vector<1x16xf32> to vector<16xf32>
        %add3A_348 = arith.addf %get3A_343, %get3A_347 : vector<16xf32>
        %swap3A_349 = arith.index_cast %scan3A_159 : i32 to index
        %swap3A_350 = arith.constant 208 : index
        %swap3A_351 = tpu.vector_load %arg12[%swap3A_349, %swap3A_350] {strides = array<i32>} : memref<96x256xf32, #tpu.memory_space<vmem>>, vector<1x16xf32>,
        %swap3A_352 = vector.shape_cast %swap3A_351 : vector<1x16xf32> to vector<16xf32>
        %swap3A_353 = vector.shape_cast %add3A_348 : vector<16xf32> to vector<1x16xf32>
        tpu.vector_store %arg12[%swap3A_349, %swap3A_350], %swap3A_353 {strides = array<i32>} : memref<96x256xf32, #tpu.memory_space<vmem>>, vector<1x16xf32>,
        %get3A_354 = arith.index_cast %scan3A_159 : i32 to index
        %get3A_355 = arith.constant 224 : index
        %get3A_356 = tpu.vector_load %arg12[%get3A_354, %get3A_355] {strides = array<i32>} : memref<96x256xf32, #tpu.memory_space<vmem>>, vector<1x16xf32>,
        %get3A_357 = vector.shape_cast %get3A_356 : vector<1x16xf32> to vector<16xf32>
        %get3A_358 = arith.index_cast %scan3A_159 : i32 to index
        %get3A_359 = arith.constant 224 : index
        %get3A_360 = tpu.vector_load %arg10[%get3A_358, %get3A_359] {strides = array<i32>} : memref<96x256xf32, #tpu.memory_space<vmem>>, vector<1x16xf32>,
        %get3A_361 = vector.shape_cast %get3A_360 : vector<1x16xf32> to vector<16xf32>
        %add3A_362 = arith.addf %get3A_357, %get3A_361 : vector<16xf32>
        %swap3A_363 = arith.index_cast %scan3A_159 : i32 to index
        %swap3A_364 = arith.constant 224 : index
        %swap3A_365 = tpu.vector_load %arg12[%swap3A_363, %swap3A_364] {strides = array<i32>} : memref<96x256xf32, #tpu.memory_space<vmem>>, vector<1x16xf32>,
        %swap3A_366 = vector.shape_cast %swap3A_365 : vector<1x16xf32> to vector<16xf32>
        %swap3A_367 = vector.shape_cast %add3A_362 : vector<16xf32> to vector<1x16xf32>
        tpu.vector_store %arg12[%swap3A_363, %swap3A_364], %swap3A_367 {strides = array<i32>} : memref<96x256xf32, #tpu.memory_space<vmem>>, vector<1x16xf32>,
        %get3A_368 = arith.index_cast %scan3A_159 : i32 to index
        %get3A_369 = arith.constant 240 : index
        %get3A_370 = tpu.vector_load %arg12[%get3A_368, %get3A_369] {strides = array<i32>} : memref<96x256xf32, #tpu.memory_space<vmem>>, vector<1x16xf32>,
        %get3A_371 = vector.shape_cast %get3A_370 : vector<1x16xf32> to vector<16xf32>
        %get3A_372 = arith.index_cast %scan3A_159 : i32 to index
        %get3A_373 = arith.constant 240 : index
        %get3A_374 = tpu.vector_load %arg10[%get3A_372, %get3A_373] {strides = array<i32>} : memref<96x256xf32, #tpu.memory_space<vmem>>, vector<1x16xf32>,
        %get3A_375 = vector.shape_cast %get3A_374 : vector<1x16xf32> to vector<16xf32>
        %add3A_376 = arith.addf %get3A_371, %get3A_375 : vector<16xf32>
        %swap3A_377 = arith.index_cast %scan3A_159 : i32 to index
        %swap3A_378 = arith.constant 240 : index
        %swap3A_379 = tpu.vector_load %arg12[%swap3A_377, %swap3A_378] {strides = array<i32>} : memref<96x256xf32, #tpu.memory_space<vmem>>, vector<1x16xf32>,
        %swap3A_380 = vector.shape_cast %swap3A_379 : vector<1x16xf32> to vector<16xf32>
        %swap3A_381 = vector.shape_cast %add3A_376 : vector<16xf32> to vector<1x16xf32>
        tpu.vector_store %arg12[%swap3A_377, %swap3A_378], %swap3A_381 {strides = array<i32>} : memref<96x256xf32, #tpu.memory_space<vmem>>, vector<1x16xf32>,
      }
      %scan3A_108 = arith.constant 96 : i32
      %add3A_109 = arith.constant 1 : i32
      %add3A_110 = arith.addi %mul3A_32, %add3A_109 : i32
      %mul3A_111 = arith.constant 16 : i32
      %mul3A_112 = arith.muli %add3A_110, %mul3A_111 : i32
      %add3A_113 = arith.addi %mul3A_112, %select_n3A_9 : i32
      "tpu.region"() ({
        %run_scoped3A = tpu.sem_alloc : memref<!tpu.dma_semaphore, #tpu.memory_space<semaphore_mem>>
        %dma_start3A_159 = arith.constant 0 : i32
        %dma_start3A_160 = tpu.memref_slice %arg6[%add3A_113, %mul3A_42, %dma_start3A_159] : memref<128x2304x256xf32, #tpu.memory_space<hbm>> -> memref<1x96x256xf32, #tpu.memory_space<hbm>>
        %dma_start3A_161 = tpu.memref_squeeze %dma_start3A_160 : memref<1x96x256xf32, #tpu.memory_space<hbm>> -> memref<96x256xf32, #tpu.memory_space<hbm>>
        %dma_start3A_162 = arith.constant 0 : i32
        %dma_start3A_163 = tpu.memref_slice %arg6[%add3A_113, %mul3A_42, %dma_start3A_162] : memref<128x2304x256xf32, #tpu.memory_space<hbm>> -> memref<1x96x256xf32, #tpu.memory_space<hbm>>
        %dma_start3A_164 = tpu.memref_squeeze %dma_start3A_163 : memref<1x96x256xf32, #tpu.memory_space<hbm>> -> memref<96x256xf32, #tpu.memory_space<hbm>>
        tpu.enqueue_dma source(%arg12 : memref<96x256xf32, #tpu.memory_space<vmem>>) target(%dma_start3A_164 : memref<96x256xf32, #tpu.memory_space<hbm>>) target_semaphore(%run_scoped3A : memref<!tpu.dma_semaphore, #tpu.memory_space<semaphore_mem>>)
        %dma_wait3A_165 = arith.constant 0 : i32
        %dma_wait3A_166 = tpu.memref_slice %arg6[%add3A_113, %mul3A_42, %dma_wait3A_165] : memref<128x2304x256xf32, #tpu.memory_space<hbm>> -> memref<1x96x256xf32, #tpu.memory_space<hbm>>
        %dma_wait3A_167 = tpu.memref_squeeze %dma_wait3A_166 : memref<1x96x256xf32, #tpu.memory_space<hbm>> -> memref<96x256xf32, #tpu.memory_space<hbm>>
        %dma_wait3A_168 = arith.constant 0 : i32
        %dma_wait3A_169 = tpu.memref_slice %arg6[%add3A_113, %mul3A_42, %dma_wait3A_168] : memref<128x2304x256xf32, #tpu.memory_space<hbm>> -> memref<1x96x256xf32, #tpu.memory_space<hbm>>
        %dma_wait3A_170 = tpu.memref_squeeze %dma_wait3A_169 : memref<1x96x256xf32, #tpu.memory_space<hbm>> -> memref<96x256xf32, #tpu.memory_space<hbm>>
        tpu.wait_dma2 semaphore(%run_scoped3A : memref<!tpu.dma_semaphore, #tpu.memory_space<semaphore_mem>>) src(%arg12 : memref<96x256xf32, #tpu.memory_space<vmem>>) dst(%dma_wait3A_170 : memref<96x256xf32, #tpu.memory_space<hbm>>)
        tpu.yield
      }) : () -> ()
      %add3A_114 = arith.constant 3 : i32
      %add3A_115 = arith.addi %mul3A_32, %add3A_114 : i32
      %mul3A_116 = arith.constant 16 : i32
      %mul3A_117 = arith.muli %add3A_115, %mul3A_116 : i32
      %add3A_118 = arith.addi %mul3A_117, %select_n3A_9 : i32
      %dma_start3A_119 = arith.constant 0 : i32
      %dma_start3A_120 = tpu.memref_slice %arg2[%add3A_118, %mul3A_42, %dma_start3A_119] : memref<128x2304x256xf32, #tpu.memory_space<hbm>> -> memref<1x96x256xf32, #tpu.memory_space<hbm>>
      %dma_start3A_121 = tpu.memref_squeeze %dma_start3A_120 : memref<1x96x256xf32, #tpu.memory_space<hbm>> -> memref<96x256xf32, #tpu.memory_space<hbm>>
      %dma_start3A_122 = arith.constant 0 : i32
      %dma_start3A_123 = tpu.memref_slice %arg2[%add3A_118, %mul3A_42, %dma_start3A_122] : memref<128x2304x256xf32, #tpu.memory_space<hbm>> -> memref<1x96x256xf32, #tpu.memory_space<hbm>>
      %dma_start3A_124 = tpu.memref_squeeze %dma_start3A_123 : memref<1x96x256xf32, #tpu.memory_space<hbm>> -> memref<96x256xf32, #tpu.memory_space<hbm>>
      tpu.enqueue_dma source(%dma_start3A_124 : memref<96x256xf32, #tpu.memory_space<hbm>>) target(%arg12 : memref<96x256xf32, #tpu.memory_space<vmem>>) target_semaphore(%arg14 : memref<!tpu.dma_semaphore, #tpu.memory_space<semaphore_mem>>)
      %dma_wait3A_125 = arith.constant 0 : i32
      %dma_wait3A_126 = tpu.memref_slice %arg2[%add3A_90, %mul3A_42, %dma_wait3A_125] : memref<128x2304x256xf32, #tpu.memory_space<hbm>> -> memref<1x96x256xf32, #tpu.memory_space<hbm>>
      %dma_wait3A_127 = tpu.memref_squeeze %dma_wait3A_126 : memref<1x96x256xf32, #tpu.memory_space<hbm>> -> memref<96x256xf32, #tpu.memory_space<hbm>>
      %dma_wait3A_128 = arith.constant 0 : i32
      %dma_wait3A_129 = tpu.memref_slice %arg2[%add3A_90, %mul3A_42, %dma_wait3A_128] : memref<128x2304x256xf32, #tpu.memory_space<hbm>> -> memref<1x96x256xf32, #tpu.memory_space<hbm>>
      %dma_wait3A_130 = tpu.memref_squeeze %dma_wait3A_129 : memref<1x96x256xf32, #tpu.memory_space<hbm>> -> memref<96x256xf32, #tpu.memory_space<hbm>>
      tpu.wait_dma2 semaphore(%arg13 : memref<!tpu.dma_semaphore, #tpu.memory_space<semaphore_mem>>) src(%dma_wait3A_130 : memref<96x256xf32, #tpu.memory_space<hbm>>) dst(%arg11 : memref<96x256xf32, #tpu.memory_space<vmem>>)
      %scan3A_131 = arith.constant 0 : i32
      %scan3A_132 = arith.constant 0 : i32
      %scan3A_133 = arith.constant 96 : i32
      %scan3A_134 = arith.addi %scan3A_132, %scan3A_133 : i32
      %scan3A_135 = arith.constant 1 : i32
      scf.for %scan3A_159 = %scan3A_132 to %scan3A_134 step %scan3A_135  : i32 {
        %get3A = arith.index_cast %scan3A_159 : i32 to index
        %get3A_160 = arith.constant 0 : index
        %get3A_161 = tpu.vector_load %arg11[%get3A, %get3A_160] {strides = array<i32>} : memref<96x256xf32, #tpu.memory_space<vmem>>, vector<1x16xf32>,
        %get3A_162 = vector.shape_cast %get3A_161 : vector<1x16xf32> to vector<16xf32>
        %get3A_163 = arith.index_cast %scan3A_159 : i32 to index
        %get3A_164 = arith.constant 0 : index
        %get3A_165 = tpu.vector_load %arg10[%get3A_163, %get3A_164] {strides = array<i32>} : memref<96x256xf32, #tpu.memory_space<vmem>>, vector<1x16xf32>,
        %get3A_166 = vector.shape_cast %get3A_165 : vector<1x16xf32> to vector<16xf32>
        %add3A_167 = arith.addf %get3A_162, %get3A_166 : vector<16xf32>
        %swap3A = arith.index_cast %scan3A_159 : i32 to index
        %swap3A_168 = arith.constant 0 : index
        %swap3A_169 = tpu.vector_load %arg11[%swap3A, %swap3A_168] {strides = array<i32>} : memref<96x256xf32, #tpu.memory_space<vmem>>, vector<1x16xf32>,
        %swap3A_170 = vector.shape_cast %swap3A_169 : vector<1x16xf32> to vector<16xf32>
        %swap3A_171 = vector.shape_cast %add3A_167 : vector<16xf32> to vector<1x16xf32>
        tpu.vector_store %arg11[%swap3A, %swap3A_168], %swap3A_171 {strides = array<i32>} : memref<96x256xf32, #tpu.memory_space<vmem>>, vector<1x16xf32>,
        %get3A_172 = arith.index_cast %scan3A_159 : i32 to index
        %get3A_173 = arith.constant 16 : index
        %get3A_174 = tpu.vector_load %arg11[%get3A_172, %get3A_173] {strides = array<i32>} : memref<96x256xf32, #tpu.memory_space<vmem>>, vector<1x16xf32>,
        %get3A_175 = vector.shape_cast %get3A_174 : vector<1x16xf32> to vector<16xf32>
        %get3A_176 = arith.index_cast %scan3A_159 : i32 to index
        %get3A_177 = arith.constant 16 : index
        %get3A_178 = tpu.vector_load %arg10[%get3A_176, %get3A_177] {strides = array<i32>} : memref<96x256xf32, #tpu.memory_space<vmem>>, vector<1x16xf32>,
        %get3A_179 = vector.shape_cast %get3A_178 : vector<1x16xf32> to vector<16xf32>
        %add3A_180 = arith.addf %get3A_175, %get3A_179 : vector<16xf32>
        %swap3A_181 = arith.index_cast %scan3A_159 : i32 to index
        %swap3A_182 = arith.constant 16 : index
        %swap3A_183 = tpu.vector_load %arg11[%swap3A_181, %swap3A_182] {strides = array<i32>} : memref<96x256xf32, #tpu.memory_space<vmem>>, vector<1x16xf32>,
        %swap3A_184 = vector.shape_cast %swap3A_183 : vector<1x16xf32> to vector<16xf32>
        %swap3A_185 = vector.shape_cast %add3A_180 : vector<16xf32> to vector<1x16xf32>
        tpu.vector_store %arg11[%swap3A_181, %swap3A_182], %swap3A_185 {strides = array<i32>} : memref<96x256xf32, #tpu.memory_space<vmem>>, vector<1x16xf32>,
        %get3A_186 = arith.index_cast %scan3A_159 : i32 to index
        %get3A_187 = arith.constant 32 : index
        %get3A_188 = tpu.vector_load %arg11[%get3A_186, %get3A_187] {strides = array<i32>} : memref<96x256xf32, #tpu.memory_space<vmem>>, vector<1x16xf32>,
        %get3A_189 = vector.shape_cast %get3A_188 : vector<1x16xf32> to vector<16xf32>
        %get3A_190 = arith.index_cast %scan3A_159 : i32 to index
        %get3A_191 = arith.constant 32 : index
        %get3A_192 = tpu.vector_load %arg10[%get3A_190, %get3A_191] {strides = array<i32>} : memref<96x256xf32, #tpu.memory_space<vmem>>, vector<1x16xf32>,
        %get3A_193 = vector.shape_cast %get3A_192 : vector<1x16xf32> to vector<16xf32>
        %add3A_194 = arith.addf %get3A_189, %get3A_193 : vector<16xf32>
        %swap3A_195 = arith.index_cast %scan3A_159 : i32 to index
        %swap3A_196 = arith.constant 32 : index
        %swap3A_197 = tpu.vector_load %arg11[%swap3A_195, %swap3A_196] {strides = array<i32>} : memref<96x256xf32, #tpu.memory_space<vmem>>, vector<1x16xf32>,
        %swap3A_198 = vector.shape_cast %swap3A_197 : vector<1x16xf32> to vector<16xf32>
        %swap3A_199 = vector.shape_cast %add3A_194 : vector<16xf32> to vector<1x16xf32>
        tpu.vector_store %arg11[%swap3A_195, %swap3A_196], %swap3A_199 {strides = array<i32>} : memref<96x256xf32, #tpu.memory_space<vmem>>, vector<1x16xf32>,
        %get3A_200 = arith.index_cast %scan3A_159 : i32 to index
        %get3A_201 = arith.constant 48 : index
        %get3A_202 = tpu.vector_load %arg11[%get3A_200, %get3A_201] {strides = array<i32>} : memref<96x256xf32, #tpu.memory_space<vmem>>, vector<1x16xf32>,
        %get3A_203 = vector.shape_cast %get3A_202 : vector<1x16xf32> to vector<16xf32>
        %get3A_204 = arith.index_cast %scan3A_159 : i32 to index
        %get3A_205 = arith.constant 48 : index
        %get3A_206 = tpu.vector_load %arg10[%get3A_204, %get3A_205] {strides = array<i32>} : memref<96x256xf32, #tpu.memory_space<vmem>>, vector<1x16xf32>,
        %get3A_207 = vector.shape_cast %get3A_206 : vector<1x16xf32> to vector<16xf32>
        %add3A_208 = arith.addf %get3A_203, %get3A_207 : vector<16xf32>
        %swap3A_209 = arith.index_cast %scan3A_159 : i32 to index
        %swap3A_210 = arith.constant 48 : index
        %swap3A_211 = tpu.vector_load %arg11[%swap3A_209, %swap3A_210] {strides = array<i32>} : memref<96x256xf32, #tpu.memory_space<vmem>>, vector<1x16xf32>,
        %swap3A_212 = vector.shape_cast %swap3A_211 : vector<1x16xf32> to vector<16xf32>
        %swap3A_213 = vector.shape_cast %add3A_208 : vector<16xf32> to vector<1x16xf32>
        tpu.vector_store %arg11[%swap3A_209, %swap3A_210], %swap3A_213 {strides = array<i32>} : memref<96x256xf32, #tpu.memory_space<vmem>>, vector<1x16xf32>,
        %get3A_214 = arith.index_cast %scan3A_159 : i32 to index
        %get3A_215 = arith.constant 64 : index
        %get3A_216 = tpu.vector_load %arg11[%get3A_214, %get3A_215] {strides = array<i32>} : memref<96x256xf32, #tpu.memory_space<vmem>>, vector<1x16xf32>,
        %get3A_217 = vector.shape_cast %get3A_216 : vector<1x16xf32> to vector<16xf32>
        %get3A_218 = arith.index_cast %scan3A_159 : i32 to index
        %get3A_219 = arith.constant 64 : index
        %get3A_220 = tpu.vector_load %arg10[%get3A_218, %get3A_219] {strides = array<i32>} : memref<96x256xf32, #tpu.memory_space<vmem>>, vector<1x16xf32>,
        %get3A_221 = vector.shape_cast %get3A_220 : vector<1x16xf32> to vector<16xf32>
        %add3A_222 = arith.addf %get3A_217, %get3A_221 : vector<16xf32>
        %swap3A_223 = arith.index_cast %scan3A_159 : i32 to index
        %swap3A_224 = arith.constant 64 : index
        %swap3A_225 = tpu.vector_load %arg11[%swap3A_223, %swap3A_224] {strides = array<i32>} : memref<96x256xf32, #tpu.memory_space<vmem>>, vector<1x16xf32>,
        %swap3A_226 = vector.shape_cast %swap3A_225 : vector<1x16xf32> to vector<16xf32>
        %swap3A_227 = vector.shape_cast %add3A_222 : vector<16xf32> to vector<1x16xf32>
        tpu.vector_store %arg11[%swap3A_223, %swap3A_224], %swap3A_227 {strides = array<i32>} : memref<96x256xf32, #tpu.memory_space<vmem>>, vector<1x16xf32>,
        %get3A_228 = arith.index_cast %scan3A_159 : i32 to index
        %get3A_229 = arith.constant 80 : index
        %get3A_230 = tpu.vector_load %arg11[%get3A_228, %get3A_229] {strides = array<i32>} : memref<96x256xf32, #tpu.memory_space<vmem>>, vector<1x16xf32>,
        %get3A_231 = vector.shape_cast %get3A_230 : vector<1x16xf32> to vector<16xf32>
        %get3A_232 = arith.index_cast %scan3A_159 : i32 to index
        %get3A_233 = arith.constant 80 : index
        %get3A_234 = tpu.vector_load %arg10[%get3A_232, %get3A_233] {strides = array<i32>} : memref<96x256xf32, #tpu.memory_space<vmem>>, vector<1x16xf32>,
        %get3A_235 = vector.shape_cast %get3A_234 : vector<1x16xf32> to vector<16xf32>
        %add3A_236 = arith.addf %get3A_231, %get3A_235 : vector<16xf32>
        %swap3A_237 = arith.index_cast %scan3A_159 : i32 to index
        %swap3A_238 = arith.constant 80 : index
        %swap3A_239 = tpu.vector_load %arg11[%swap3A_237, %swap3A_238] {strides = array<i32>} : memref<96x256xf32, #tpu.memory_space<vmem>>, vector<1x16xf32>,
        %swap3A_240 = vector.shape_cast %swap3A_239 : vector<1x16xf32> to vector<16xf32>
        %swap3A_241 = vector.shape_cast %add3A_236 : vector<16xf32> to vector<1x16xf32>
        tpu.vector_store %arg11[%swap3A_237, %swap3A_238], %swap3A_241 {strides = array<i32>} : memref<96x256xf32, #tpu.memory_space<vmem>>, vector<1x16xf32>,
        %get3A_242 = arith.index_cast %scan3A_159 : i32 to index
        %get3A_243 = arith.constant 96 : index
        %get3A_244 = tpu.vector_load %arg11[%get3A_242, %get3A_243] {strides = array<i32>} : memref<96x256xf32, #tpu.memory_space<vmem>>, vector<1x16xf32>,
        %get3A_245 = vector.shape_cast %get3A_244 : vector<1x16xf32> to vector<16xf32>
        %get3A_246 = arith.index_cast %scan3A_159 : i32 to index
        %get3A_247 = arith.constant 96 : index
        %get3A_248 = tpu.vector_load %arg10[%get3A_246, %get3A_247] {strides = array<i32>} : memref<96x256xf32, #tpu.memory_space<vmem>>, vector<1x16xf32>,
        %get3A_249 = vector.shape_cast %get3A_248 : vector<1x16xf32> to vector<16xf32>
        %add3A_250 = arith.addf %get3A_245, %get3A_249 : vector<16xf32>
        %swap3A_251 = arith.index_cast %scan3A_159 : i32 to index
        %swap3A_252 = arith.constant 96 : index
        %swap3A_253 = tpu.vector_load %arg11[%swap3A_251, %swap3A_252] {strides = array<i32>} : memref<96x256xf32, #tpu.memory_space<vmem>>, vector<1x16xf32>,
        %swap3A_254 = vector.shape_cast %swap3A_253 : vector<1x16xf32> to vector<16xf32>
        %swap3A_255 = vector.shape_cast %add3A_250 : vector<16xf32> to vector<1x16xf32>
        tpu.vector_store %arg11[%swap3A_251, %swap3A_252], %swap3A_255 {strides = array<i32>} : memref<96x256xf32, #tpu.memory_space<vmem>>, vector<1x16xf32>,
        %get3A_256 = arith.index_cast %scan3A_159 : i32 to index
        %get3A_257 = arith.constant 112 : index
        %get3A_258 = tpu.vector_load %arg11[%get3A_256, %get3A_257] {strides = array<i32>} : memref<96x256xf32, #tpu.memory_space<vmem>>, vector<1x16xf32>,
        %get3A_259 = vector.shape_cast %get3A_258 : vector<1x16xf32> to vector<16xf32>
        %get3A_260 = arith.index_cast %scan3A_159 : i32 to index
        %get3A_261 = arith.constant 112 : index
        %get3A_262 = tpu.vector_load %arg10[%get3A_260, %get3A_261] {strides = array<i32>} : memref<96x256xf32, #tpu.memory_space<vmem>>, vector<1x16xf32>,
        %get3A_263 = vector.shape_cast %get3A_262 : vector<1x16xf32> to vector<16xf32>
        %add3A_264 = arith.addf %get3A_259, %get3A_263 : vector<16xf32>
        %swap3A_265 = arith.index_cast %scan3A_159 : i32 to index
        %swap3A_266 = arith.constant 112 : index
        %swap3A_267 = tpu.vector_load %arg11[%swap3A_265, %swap3A_266] {strides = array<i32>} : memref<96x256xf32, #tpu.memory_space<vmem>>, vector<1x16xf32>,
        %swap3A_268 = vector.shape_cast %swap3A_267 : vector<1x16xf32> to vector<16xf32>
        %swap3A_269 = vector.shape_cast %add3A_264 : vector<16xf32> to vector<1x16xf32>
        tpu.vector_store %arg11[%swap3A_265, %swap3A_266], %swap3A_269 {strides = array<i32>} : memref<96x256xf32, #tpu.memory_space<vmem>>, vector<1x16xf32>,
        %get3A_270 = arith.index_cast %scan3A_159 : i32 to index
        %get3A_271 = arith.constant 128 : index
        %get3A_272 = tpu.vector_load %arg11[%get3A_270, %get3A_271] {strides = array<i32>} : memref<96x256xf32, #tpu.memory_space<vmem>>, vector<1x16xf32>,
        %get3A_273 = vector.shape_cast %get3A_272 : vector<1x16xf32> to vector<16xf32>
        %get3A_274 = arith.index_cast %scan3A_159 : i32 to index
        %get3A_275 = arith.constant 128 : index
        %get3A_276 = tpu.vector_load %arg10[%get3A_274, %get3A_275] {strides = array<i32>} : memref<96x256xf32, #tpu.memory_space<vmem>>, vector<1x16xf32>,
        %get3A_277 = vector.shape_cast %get3A_276 : vector<1x16xf32> to vector<16xf32>
        %add3A_278 = arith.addf %get3A_273, %get3A_277 : vector<16xf32>
        %swap3A_279 = arith.index_cast %scan3A_159 : i32 to index
        %swap3A_280 = arith.constant 128 : index
        %swap3A_281 = tpu.vector_load %arg11[%swap3A_279, %swap3A_280] {strides = array<i32>} : memref<96x256xf32, #tpu.memory_space<vmem>>, vector<1x16xf32>,
        %swap3A_282 = vector.shape_cast %swap3A_281 : vector<1x16xf32> to vector<16xf32>
        %swap3A_283 = vector.shape_cast %add3A_278 : vector<16xf32> to vector<1x16xf32>
        tpu.vector_store %arg11[%swap3A_279, %swap3A_280], %swap3A_283 {strides = array<i32>} : memref<96x256xf32, #tpu.memory_space<vmem>>, vector<1x16xf32>,
        %get3A_284 = arith.index_cast %scan3A_159 : i32 to index
        %get3A_285 = arith.constant 144 : index
        %get3A_286 = tpu.vector_load %arg11[%get3A_284, %get3A_285] {strides = array<i32>} : memref<96x256xf32, #tpu.memory_space<vmem>>, vector<1x16xf32>,
        %get3A_287 = vector.shape_cast %get3A_286 : vector<1x16xf32> to vector<16xf32>
        %get3A_288 = arith.index_cast %scan3A_159 : i32 to index
        %get3A_289 = arith.constant 144 : index
        %get3A_290 = tpu.vector_load %arg10[%get3A_288, %get3A_289] {strides = array<i32>} : memref<96x256xf32, #tpu.memory_space<vmem>>, vector<1x16xf32>,
        %get3A_291 = vector.shape_cast %get3A_290 : vector<1x16xf32> to vector<16xf32>
        %add3A_292 = arith.addf %get3A_287, %get3A_291 : vector<16xf32>
        %swap3A_293 = arith.index_cast %scan3A_159 : i32 to index
        %swap3A_294 = arith.constant 144 : index
        %swap3A_295 = tpu.vector_load %arg11[%swap3A_293, %swap3A_294] {strides = array<i32>} : memref<96x256xf32, #tpu.memory_space<vmem>>, vector<1x16xf32>,
        %swap3A_296 = vector.shape_cast %swap3A_295 : vector<1x16xf32> to vector<16xf32>
        %swap3A_297 = vector.shape_cast %add3A_292 : vector<16xf32> to vector<1x16xf32>
        tpu.vector_store %arg11[%swap3A_293, %swap3A_294], %swap3A_297 {strides = array<i32>} : memref<96x256xf32, #tpu.memory_space<vmem>>, vector<1x16xf32>,
        %get3A_298 = arith.index_cast %scan3A_159 : i32 to index
        %get3A_299 = arith.constant 160 : index
        %get3A_300 = tpu.vector_load %arg11[%get3A_298, %get3A_299] {strides = array<i32>} : memref<96x256xf32, #tpu.memory_space<vmem>>, vector<1x16xf32>,
        %get3A_301 = vector.shape_cast %get3A_300 : vector<1x16xf32> to vector<16xf32>
        %get3A_302 = arith.index_cast %scan3A_159 : i32 to index
        %get3A_303 = arith.constant 160 : index
        %get3A_304 = tpu.vector_load %arg10[%get3A_302, %get3A_303] {strides = array<i32>} : memref<96x256xf32, #tpu.memory_space<vmem>>, vector<1x16xf32>,
        %get3A_305 = vector.shape_cast %get3A_304 : vector<1x16xf32> to vector<16xf32>
        %add3A_306 = arith.addf %get3A_301, %get3A_305 : vector<16xf32>
        %swap3A_307 = arith.index_cast %scan3A_159 : i32 to index
        %swap3A_308 = arith.constant 160 : index
        %swap3A_309 = tpu.vector_load %arg11[%swap3A_307, %swap3A_308] {strides = array<i32>} : memref<96x256xf32, #tpu.memory_space<vmem>>, vector<1x16xf32>,
        %swap3A_310 = vector.shape_cast %swap3A_309 : vector<1x16xf32> to vector<16xf32>
        %swap3A_311 = vector.shape_cast %add3A_306 : vector<16xf32> to vector<1x16xf32>
        tpu.vector_store %arg11[%swap3A_307, %swap3A_308], %swap3A_311 {strides = array<i32>} : memref<96x256xf32, #tpu.memory_space<vmem>>, vector<1x16xf32>,
        %get3A_312 = arith.index_cast %scan3A_159 : i32 to index
        %get3A_313 = arith.constant 176 : index
        %get3A_314 = tpu.vector_load %arg11[%get3A_312, %get3A_313] {strides = array<i32>} : memref<96x256xf32, #tpu.memory_space<vmem>>, vector<1x16xf32>,
        %get3A_315 = vector.shape_cast %get3A_314 : vector<1x16xf32> to vector<16xf32>
        %get3A_316 = arith.index_cast %scan3A_159 : i32 to index
        %get3A_317 = arith.constant 176 : index
        %get3A_318 = tpu.vector_load %arg10[%get3A_316, %get3A_317] {strides = array<i32>} : memref<96x256xf32, #tpu.memory_space<vmem>>, vector<1x16xf32>,
        %get3A_319 = vector.shape_cast %get3A_318 : vector<1x16xf32> to vector<16xf32>
        %add3A_320 = arith.addf %get3A_315, %get3A_319 : vector<16xf32>
        %swap3A_321 = arith.index_cast %scan3A_159 : i32 to index
        %swap3A_322 = arith.constant 176 : index
        %swap3A_323 = tpu.vector_load %arg11[%swap3A_321, %swap3A_322] {strides = array<i32>} : memref<96x256xf32, #tpu.memory_space<vmem>>, vector<1x16xf32>,
        %swap3A_324 = vector.shape_cast %swap3A_323 : vector<1x16xf32> to vector<16xf32>
        %swap3A_325 = vector.shape_cast %add3A_320 : vector<16xf32> to vector<1x16xf32>
        tpu.vector_store %arg11[%swap3A_321, %swap3A_322], %swap3A_325 {strides = array<i32>} : memref<96x256xf32, #tpu.memory_space<vmem>>, vector<1x16xf32>,
        %get3A_326 = arith.index_cast %scan3A_159 : i32 to index
        %get3A_327 = arith.constant 192 : index
        %get3A_328 = tpu.vector_load %arg11[%get3A_326, %get3A_327] {strides = array<i32>} : memref<96x256xf32, #tpu.memory_space<vmem>>, vector<1x16xf32>,
        %get3A_329 = vector.shape_cast %get3A_328 : vector<1x16xf32> to vector<16xf32>
        %get3A_330 = arith.index_cast %scan3A_159 : i32 to index
        %get3A_331 = arith.constant 192 : index
        %get3A_332 = tpu.vector_load %arg10[%get3A_330, %get3A_331] {strides = array<i32>} : memref<96x256xf32, #tpu.memory_space<vmem>>, vector<1x16xf32>,
        %get3A_333 = vector.shape_cast %get3A_332 : vector<1x16xf32> to vector<16xf32>
        %add3A_334 = arith.addf %get3A_329, %get3A_333 : vector<16xf32>
        %swap3A_335 = arith.index_cast %scan3A_159 : i32 to index
        %swap3A_336 = arith.constant 192 : index
        %swap3A_337 = tpu.vector_load %arg11[%swap3A_335, %swap3A_336] {strides = array<i32>} : memref<96x256xf32, #tpu.memory_space<vmem>>, vector<1x16xf32>,
        %swap3A_338 = vector.shape_cast %swap3A_337 : vector<1x16xf32> to vector<16xf32>
        %swap3A_339 = vector.shape_cast %add3A_334 : vector<16xf32> to vector<1x16xf32>
        tpu.vector_store %arg11[%swap3A_335, %swap3A_336], %swap3A_339 {strides = array<i32>} : memref<96x256xf32, #tpu.memory_space<vmem>>, vector<1x16xf32>,
        %get3A_340 = arith.index_cast %scan3A_159 : i32 to index
        %get3A_341 = arith.constant 208 : index
        %get3A_342 = tpu.vector_load %arg11[%get3A_340, %get3A_341] {strides = array<i32>} : memref<96x256xf32, #tpu.memory_space<vmem>>, vector<1x16xf32>,
        %get3A_343 = vector.shape_cast %get3A_342 : vector<1x16xf32> to vector<16xf32>
        %get3A_344 = arith.index_cast %scan3A_159 : i32 to index
        %get3A_345 = arith.constant 208 : index
        %get3A_346 = tpu.vector_load %arg10[%get3A_344, %get3A_345] {strides = array<i32>} : memref<96x256xf32, #tpu.memory_space<vmem>>, vector<1x16xf32>,
        %get3A_347 = vector.shape_cast %get3A_346 : vector<1x16xf32> to vector<16xf32>
        %add3A_348 = arith.addf %get3A_343, %get3A_347 : vector<16xf32>
        %swap3A_349 = arith.index_cast %scan3A_159 : i32 to index
        %swap3A_350 = arith.constant 208 : index
        %swap3A_351 = tpu.vector_load %arg11[%swap3A_349, %swap3A_350] {strides = array<i32>} : memref<96x256xf32, #tpu.memory_space<vmem>>, vector<1x16xf32>,
        %swap3A_352 = vector.shape_cast %swap3A_351 : vector<1x16xf32> to vector<16xf32>
        %swap3A_353 = vector.shape_cast %add3A_348 : vector<16xf32> to vector<1x16xf32>
        tpu.vector_store %arg11[%swap3A_349, %swap3A_350], %swap3A_353 {strides = array<i32>} : memref<96x256xf32, #tpu.memory_space<vmem>>, vector<1x16xf32>,
        %get3A_354 = arith.index_cast %scan3A_159 : i32 to index
        %get3A_355 = arith.constant 224 : index
        %get3A_356 = tpu.vector_load %arg11[%get3A_354, %get3A_355] {strides = array<i32>} : memref<96x256xf32, #tpu.memory_space<vmem>>, vector<1x16xf32>,
        %get3A_357 = vector.shape_cast %get3A_356 : vector<1x16xf32> to vector<16xf32>
        %get3A_358 = arith.index_cast %scan3A_159 : i32 to index
        %get3A_359 = arith.constant 224 : index
        %get3A_360 = tpu.vector_load %arg10[%get3A_358, %get3A_359] {strides = array<i32>} : memref<96x256xf32, #tpu.memory_space<vmem>>, vector<1x16xf32>,
        %get3A_361 = vector.shape_cast %get3A_360 : vector<1x16xf32> to vector<16xf32>
        %add3A_362 = arith.addf %get3A_357, %get3A_361 : vector<16xf32>
        %swap3A_363 = arith.index_cast %scan3A_159 : i32 to index
        %swap3A_364 = arith.constant 224 : index
        %swap3A_365 = tpu.vector_load %arg11[%swap3A_363, %swap3A_364] {strides = array<i32>} : memref<96x256xf32, #tpu.memory_space<vmem>>, vector<1x16xf32>,
        %swap3A_366 = vector.shape_cast %swap3A_365 : vector<1x16xf32> to vector<16xf32>
        %swap3A_367 = vector.shape_cast %add3A_362 : vector<16xf32> to vector<1x16xf32>
        tpu.vector_store %arg11[%swap3A_363, %swap3A_364], %swap3A_367 {strides = array<i32>} : memref<96x256xf32, #tpu.memory_space<vmem>>, vector<1x16xf32>,
        %get3A_368 = arith.index_cast %scan3A_159 : i32 to index
        %get3A_369 = arith.constant 240 : index
        %get3A_370 = tpu.vector_load %arg11[%get3A_368, %get3A_369] {strides = array<i32>} : memref<96x256xf32, #tpu.memory_space<vmem>>, vector<1x16xf32>,
        %get3A_371 = vector.shape_cast %get3A_370 : vector<1x16xf32> to vector<16xf32>
        %get3A_372 = arith.index_cast %scan3A_159 : i32 to index
        %get3A_373 = arith.constant 240 : index
        %get3A_374 = tpu.vector_load %arg10[%get3A_372, %get3A_373] {strides = array<i32>} : memref<96x256xf32, #tpu.memory_space<vmem>>, vector<1x16xf32>,
        %get3A_375 = vector.shape_cast %get3A_374 : vector<1x16xf32> to vector<16xf32>
        %add3A_376 = arith.addf %get3A_371, %get3A_375 : vector<16xf32>
        %swap3A_377 = arith.index_cast %scan3A_159 : i32 to index
        %swap3A_378 = arith.constant 240 : index
        %swap3A_379 = tpu.vector_load %arg11[%swap3A_377, %swap3A_378] {strides = array<i32>} : memref<96x256xf32, #tpu.memory_space<vmem>>, vector<1x16xf32>,
        %swap3A_380 = vector.shape_cast %swap3A_379 : vector<1x16xf32> to vector<16xf32>
        %swap3A_381 = vector.shape_cast %add3A_376 : vector<16xf32> to vector<1x16xf32>
        tpu.vector_store %arg11[%swap3A_377, %swap3A_378], %swap3A_381 {strides = array<i32>} : memref<96x256xf32, #tpu.memory_space<vmem>>, vector<1x16xf32>,
      }
      %scan3A_136 = arith.constant 96 : i32
      %add3A_137 = arith.constant 2 : i32
      %add3A_138 = arith.addi %mul3A_32, %add3A_137 : i32
      %mul3A_139 = arith.constant 16 : i32
      %mul3A_140 = arith.muli %add3A_138, %mul3A_139 : i32
      %add3A_141 = arith.addi %mul3A_140, %select_n3A_9 : i32
      "tpu.region"() ({
        %run_scoped3A = tpu.sem_alloc : memref<!tpu.dma_semaphore, #tpu.memory_space<semaphore_mem>>
        %dma_start3A_159 = arith.constant 0 : i32
        %dma_start3A_160 = tpu.memref_slice %arg6[%add3A_141, %mul3A_42, %dma_start3A_159] : memref<128x2304x256xf32, #tpu.memory_space<hbm>> -> memref<1x96x256xf32, #tpu.memory_space<hbm>>
        %dma_start3A_161 = tpu.memref_squeeze %dma_start3A_160 : memref<1x96x256xf32, #tpu.memory_space<hbm>> -> memref<96x256xf32, #tpu.memory_space<hbm>>
        %dma_start3A_162 = arith.constant 0 : i32
        %dma_start3A_163 = tpu.memref_slice %arg6[%add3A_141, %mul3A_42, %dma_start3A_162] : memref<128x2304x256xf32, #tpu.memory_space<hbm>> -> memref<1x96x256xf32, #tpu.memory_space<hbm>>
        %dma_start3A_164 = tpu.memref_squeeze %dma_start3A_163 : memref<1x96x256xf32, #tpu.memory_space<hbm>> -> memref<96x256xf32, #tpu.memory_space<hbm>>
        tpu.enqueue_dma source(%arg11 : memref<96x256xf32, #tpu.memory_space<vmem>>) target(%dma_start3A_164 : memref<96x256xf32, #tpu.memory_space<hbm>>) target_semaphore(%run_scoped3A : memref<!tpu.dma_semaphore, #tpu.memory_space<semaphore_mem>>)
        %dma_wait3A_165 = arith.constant 0 : i32
        %dma_wait3A_166 = tpu.memref_slice %arg6[%add3A_141, %mul3A_42, %dma_wait3A_165] : memref<128x2304x256xf32, #tpu.memory_space<hbm>> -> memref<1x96x256xf32, #tpu.memory_space<hbm>>
        %dma_wait3A_167 = tpu.memref_squeeze %dma_wait3A_166 : memref<1x96x256xf32, #tpu.memory_space<hbm>> -> memref<96x256xf32, #tpu.memory_space<hbm>>
        %dma_wait3A_168 = arith.constant 0 : i32
        %dma_wait3A_169 = tpu.memref_slice %arg6[%add3A_141, %mul3A_42, %dma_wait3A_168] : memref<128x2304x256xf32, #tpu.memory_space<hbm>> -> memref<1x96x256xf32, #tpu.memory_space<hbm>>
        %dma_wait3A_170 = tpu.memref_squeeze %dma_wait3A_169 : memref<1x96x256xf32, #tpu.memory_space<hbm>> -> memref<96x256xf32, #tpu.memory_space<hbm>>
        tpu.wait_dma2 semaphore(%run_scoped3A : memref<!tpu.dma_semaphore, #tpu.memory_space<semaphore_mem>>) src(%arg11 : memref<96x256xf32, #tpu.memory_space<vmem>>) dst(%dma_wait3A_170 : memref<96x256xf32, #tpu.memory_space<hbm>>)
        tpu.yield
      }) : () -> ()
      %dma_wait3A_142 = arith.constant 0 : i32
      %dma_wait3A_143 = tpu.memref_slice %arg2[%add3A_118, %mul3A_42, %dma_wait3A_142] : memref<128x2304x256xf32, #tpu.memory_space<hbm>> -> memref<1x96x256xf32, #tpu.memory_space<hbm>>
      %dma_wait3A_144 = tpu.memref_squeeze %dma_wait3A_143 : memref<1x96x256xf32, #tpu.memory_space<hbm>> -> memref<96x256xf32, #tpu.memory_space<hbm>>
      %dma_wait3A_145 = arith.constant 0 : i32
      %dma_wait3A_146 = tpu.memref_slice %arg2[%add3A_118, %mul3A_42, %dma_wait3A_145] : memref<128x2304x256xf32, #tpu.memory_space<hbm>> -> memref<1x96x256xf32, #tpu.memory_space<hbm>>
      %dma_wait3A_147 = tpu.memref_squeeze %dma_wait3A_146 : memref<1x96x256xf32, #tpu.memory_space<hbm>> -> memref<96x256xf32, #tpu.memory_space<hbm>>
      tpu.wait_dma2 semaphore(%arg14 : memref<!tpu.dma_semaphore, #tpu.memory_space<semaphore_mem>>) src(%dma_wait3A_147 : memref<96x256xf32, #tpu.memory_space<hbm>>) dst(%arg12 : memref<96x256xf32, #tpu.memory_space<vmem>>)
      %scan3A_148 = arith.constant 0 : i32
      %scan3A_149 = arith.constant 0 : i32
      %scan3A_150 = arith.constant 96 : i32
      %scan3A_151 = arith.addi %scan3A_149, %scan3A_150 : i32
      %scan3A_152 = arith.constant 1 : i32
      scf.for %scan3A_159 = %scan3A_149 to %scan3A_151 step %scan3A_152  : i32 {
        %get3A = arith.index_cast %scan3A_159 : i32 to index
        %get3A_160 = arith.constant 0 : index
        %get3A_161 = tpu.vector_load %arg12[%get3A, %get3A_160] {strides = array<i32>} : memref<96x256xf32, #tpu.memory_space<vmem>>, vector<1x16xf32>,
        %get3A_162 = vector.shape_cast %get3A_161 : vector<1x16xf32> to vector<16xf32>
        %get3A_163 = arith.index_cast %scan3A_159 : i32 to index
        %get3A_164 = arith.constant 0 : index
        %get3A_165 = tpu.vector_load %arg10[%get3A_163, %get3A_164] {strides = array<i32>} : memref<96x256xf32, #tpu.memory_space<vmem>>, vector<1x16xf32>,
        %get3A_166 = vector.shape_cast %get3A_165 : vector<1x16xf32> to vector<16xf32>
        %add3A_167 = arith.addf %get3A_162, %get3A_166 : vector<16xf32>
        %swap3A = arith.index_cast %scan3A_159 : i32 to index
        %swap3A_168 = arith.constant 0 : index
        %swap3A_169 = tpu.vector_load %arg12[%swap3A, %swap3A_168] {strides = array<i32>} : memref<96x256xf32, #tpu.memory_space<vmem>>, vector<1x16xf32>,
        %swap3A_170 = vector.shape_cast %swap3A_169 : vector<1x16xf32> to vector<16xf32>
        %swap3A_171 = vector.shape_cast %add3A_167 : vector<16xf32> to vector<1x16xf32>
        tpu.vector_store %arg12[%swap3A, %swap3A_168], %swap3A_171 {strides = array<i32>} : memref<96x256xf32, #tpu.memory_space<vmem>>, vector<1x16xf32>,
        %get3A_172 = arith.index_cast %scan3A_159 : i32 to index
        %get3A_173 = arith.constant 16 : index
        %get3A_174 = tpu.vector_load %arg12[%get3A_172, %get3A_173] {strides = array<i32>} : memref<96x256xf32, #tpu.memory_space<vmem>>, vector<1x16xf32>,
        %get3A_175 = vector.shape_cast %get3A_174 : vector<1x16xf32> to vector<16xf32>
        %get3A_176 = arith.index_cast %scan3A_159 : i32 to index
        %get3A_177 = arith.constant 16 : index
        %get3A_178 = tpu.vector_load %arg10[%get3A_176, %get3A_177] {strides = array<i32>} : memref<96x256xf32, #tpu.memory_space<vmem>>, vector<1x16xf32>,
        %get3A_179 = vector.shape_cast %get3A_178 : vector<1x16xf32> to vector<16xf32>
        %add3A_180 = arith.addf %get3A_175, %get3A_179 : vector<16xf32>
        %swap3A_181 = arith.index_cast %scan3A_159 : i32 to index
        %swap3A_182 = arith.constant 16 : index
        %swap3A_183 = tpu.vector_load %arg12[%swap3A_181, %swap3A_182] {strides = array<i32>} : memref<96x256xf32, #tpu.memory_space<vmem>>, vector<1x16xf32>,
        %swap3A_184 = vector.shape_cast %swap3A_183 : vector<1x16xf32> to vector<16xf32>
        %swap3A_185 = vector.shape_cast %add3A_180 : vector<16xf32> to vector<1x16xf32>
        tpu.vector_store %arg12[%swap3A_181, %swap3A_182], %swap3A_185 {strides = array<i32>} : memref<96x256xf32, #tpu.memory_space<vmem>>, vector<1x16xf32>,
        %get3A_186 = arith.index_cast %scan3A_159 : i32 to index
        %get3A_187 = arith.constant 32 : index
        %get3A_188 = tpu.vector_load %arg12[%get3A_186, %get3A_187] {strides = array<i32>} : memref<96x256xf32, #tpu.memory_space<vmem>>, vector<1x16xf32>,
        %get3A_189 = vector.shape_cast %get3A_188 : vector<1x16xf32> to vector<16xf32>
        %get3A_190 = arith.index_cast %scan3A_159 : i32 to index
        %get3A_191 = arith.constant 32 : index
        %get3A_192 = tpu.vector_load %arg10[%get3A_190, %get3A_191] {strides = array<i32>} : memref<96x256xf32, #tpu.memory_space<vmem>>, vector<1x16xf32>,
        %get3A_193 = vector.shape_cast %get3A_192 : vector<1x16xf32> to vector<16xf32>
        %add3A_194 = arith.addf %get3A_189, %get3A_193 : vector<16xf32>
        %swap3A_195 = arith.index_cast %scan3A_159 : i32 to index
        %swap3A_196 = arith.constant 32 : index
        %swap3A_197 = tpu.vector_load %arg12[%swap3A_195, %swap3A_196] {strides = array<i32>} : memref<96x256xf32, #tpu.memory_space<vmem>>, vector<1x16xf32>,
        %swap3A_198 = vector.shape_cast %swap3A_197 : vector<1x16xf32> to vector<16xf32>
        %swap3A_199 = vector.shape_cast %add3A_194 : vector<16xf32> to vector<1x16xf32>
        tpu.vector_store %arg12[%swap3A_195, %swap3A_196], %swap3A_199 {strides = array<i32>} : memref<96x256xf32, #tpu.memory_space<vmem>>, vector<1x16xf32>,
        %get3A_200 = arith.index_cast %scan3A_159 : i32 to index
        %get3A_201 = arith.constant 48 : index
        %get3A_202 = tpu.vector_load %arg12[%get3A_200, %get3A_201] {strides = array<i32>} : memref<96x256xf32, #tpu.memory_space<vmem>>, vector<1x16xf32>,
        %get3A_203 = vector.shape_cast %get3A_202 : vector<1x16xf32> to vector<16xf32>
        %get3A_204 = arith.index_cast %scan3A_159 : i32 to index
        %get3A_205 = arith.constant 48 : index
        %get3A_206 = tpu.vector_load %arg10[%get3A_204, %get3A_205] {strides = array<i32>} : memref<96x256xf32, #tpu.memory_space<vmem>>, vector<1x16xf32>,
        %get3A_207 = vector.shape_cast %get3A_206 : vector<1x16xf32> to vector<16xf32>
        %add3A_208 = arith.addf %get3A_203, %get3A_207 : vector<16xf32>
        %swap3A_209 = arith.index_cast %scan3A_159 : i32 to index
        %swap3A_210 = arith.constant 48 : index
        %swap3A_211 = tpu.vector_load %arg12[%swap3A_209, %swap3A_210] {strides = array<i32>} : memref<96x256xf32, #tpu.memory_space<vmem>>, vector<1x16xf32>,
        %swap3A_212 = vector.shape_cast %swap3A_211 : vector<1x16xf32> to vector<16xf32>
        %swap3A_213 = vector.shape_cast %add3A_208 : vector<16xf32> to vector<1x16xf32>
        tpu.vector_store %arg12[%swap3A_209, %swap3A_210], %swap3A_213 {strides = array<i32>} : memref<96x256xf32, #tpu.memory_space<vmem>>, vector<1x16xf32>,
        %get3A_214 = arith.index_cast %scan3A_159 : i32 to index
        %get3A_215 = arith.constant 64 : index
        %get3A_216 = tpu.vector_load %arg12[%get3A_214, %get3A_215] {strides = array<i32>} : memref<96x256xf32, #tpu.memory_space<vmem>>, vector<1x16xf32>,
        %get3A_217 = vector.shape_cast %get3A_216 : vector<1x16xf32> to vector<16xf32>
        %get3A_218 = arith.index_cast %scan3A_159 : i32 to index
        %get3A_219 = arith.constant 64 : index
        %get3A_220 = tpu.vector_load %arg10[%get3A_218, %get3A_219] {strides = array<i32>} : memref<96x256xf32, #tpu.memory_space<vmem>>, vector<1x16xf32>,
        %get3A_221 = vector.shape_cast %get3A_220 : vector<1x16xf32> to vector<16xf32>
        %add3A_222 = arith.addf %get3A_217, %get3A_221 : vector<16xf32>
        %swap3A_223 = arith.index_cast %scan3A_159 : i32 to index
        %swap3A_224 = arith.constant 64 : index
        %swap3A_225 = tpu.vector_load %arg12[%swap3A_223, %swap3A_224] {strides = array<i32>} : memref<96x256xf32, #tpu.memory_space<vmem>>, vector<1x16xf32>,
        %swap3A_226 = vector.shape_cast %swap3A_225 : vector<1x16xf32> to vector<16xf32>
        %swap3A_227 = vector.shape_cast %add3A_222 : vector<16xf32> to vector<1x16xf32>
        tpu.vector_store %arg12[%swap3A_223, %swap3A_224], %swap3A_227 {strides = array<i32>} : memref<96x256xf32, #tpu.memory_space<vmem>>, vector<1x16xf32>,
        %get3A_228 = arith.index_cast %scan3A_159 : i32 to index
        %get3A_229 = arith.constant 80 : index
        %get3A_230 = tpu.vector_load %arg12[%get3A_228, %get3A_229] {strides = array<i32>} : memref<96x256xf32, #tpu.memory_space<vmem>>, vector<1x16xf32>,
        %get3A_231 = vector.shape_cast %get3A_230 : vector<1x16xf32> to vector<16xf32>
        %get3A_232 = arith.index_cast %scan3A_159 : i32 to index
        %get3A_233 = arith.constant 80 : index
        %get3A_234 = tpu.vector_load %arg10[%get3A_232, %get3A_233] {strides = array<i32>} : memref<96x256xf32, #tpu.memory_space<vmem>>, vector<1x16xf32>,
        %get3A_235 = vector.shape_cast %get3A_234 : vector<1x16xf32> to vector<16xf32>
        %add3A_236 = arith.addf %get3A_231, %get3A_235 : vector<16xf32>
        %swap3A_237 = arith.index_cast %scan3A_159 : i32 to index
        %swap3A_238 = arith.constant 80 : index
        %swap3A_239 = tpu.vector_load %arg12[%swap3A_237, %swap3A_238] {strides = array<i32>} : memref<96x256xf32, #tpu.memory_space<vmem>>, vector<1x16xf32>,
        %swap3A_240 = vector.shape_cast %swap3A_239 : vector<1x16xf32> to vector<16xf32>
        %swap3A_241 = vector.shape_cast %add3A_236 : vector<16xf32> to vector<1x16xf32>
        tpu.vector_store %arg12[%swap3A_237, %swap3A_238], %swap3A_241 {strides = array<i32>} : memref<96x256xf32, #tpu.memory_space<vmem>>, vector<1x16xf32>,
        %get3A_242 = arith.index_cast %scan3A_159 : i32 to index
        %get3A_243 = arith.constant 96 : index
        %get3A_244 = tpu.vector_load %arg12[%get3A_242, %get3A_243] {strides = array<i32>} : memref<96x256xf32, #tpu.memory_space<vmem>>, vector<1x16xf32>,
        %get3A_245 = vector.shape_cast %get3A_244 : vector<1x16xf32> to vector<16xf32>
        %get3A_246 = arith.index_cast %scan3A_159 : i32 to index
        %get3A_247 = arith.constant 96 : index
        %get3A_248 = tpu.vector_load %arg10[%get3A_246, %get3A_247] {strides = array<i32>} : memref<96x256xf32, #tpu.memory_space<vmem>>, vector<1x16xf32>,
        %get3A_249 = vector.shape_cast %get3A_248 : vector<1x16xf32> to vector<16xf32>
        %add3A_250 = arith.addf %get3A_245, %get3A_249 : vector<16xf32>
        %swap3A_251 = arith.index_cast %scan3A_159 : i32 to index
        %swap3A_252 = arith.constant 96 : index
        %swap3A_253 = tpu.vector_load %arg12[%swap3A_251, %swap3A_252] {strides = array<i32>} : memref<96x256xf32, #tpu.memory_space<vmem>>, vector<1x16xf32>,
        %swap3A_254 = vector.shape_cast %swap3A_253 : vector<1x16xf32> to vector<16xf32>
        %swap3A_255 = vector.shape_cast %add3A_250 : vector<16xf32> to vector<1x16xf32>
        tpu.vector_store %arg12[%swap3A_251, %swap3A_252], %swap3A_255 {strides = array<i32>} : memref<96x256xf32, #tpu.memory_space<vmem>>, vector<1x16xf32>,
        %get3A_256 = arith.index_cast %scan3A_159 : i32 to index
        %get3A_257 = arith.constant 112 : index
        %get3A_258 = tpu.vector_load %arg12[%get3A_256, %get3A_257] {strides = array<i32>} : memref<96x256xf32, #tpu.memory_space<vmem>>, vector<1x16xf32>,
        %get3A_259 = vector.shape_cast %get3A_258 : vector<1x16xf32> to vector<16xf32>
        %get3A_260 = arith.index_cast %scan3A_159 : i32 to index
        %get3A_261 = arith.constant 112 : index
        %get3A_262 = tpu.vector_load %arg10[%get3A_260, %get3A_261] {strides = array<i32>} : memref<96x256xf32, #tpu.memory_space<vmem>>, vector<1x16xf32>,
        %get3A_263 = vector.shape_cast %get3A_262 : vector<1x16xf32> to vector<16xf32>
        %add3A_264 = arith.addf %get3A_259, %get3A_263 : vector<16xf32>
        %swap3A_265 = arith.index_cast %scan3A_159 : i32 to index
        %swap3A_266 = arith.constant 112 : index
        %swap3A_267 = tpu.vector_load %arg12[%swap3A_265, %swap3A_266] {strides = array<i32>} : memref<96x256xf32, #tpu.memory_space<vmem>>, vector<1x16xf32>,
        %swap3A_268 = vector.shape_cast %swap3A_267 : vector<1x16xf32> to vector<16xf32>
        %swap3A_269 = vector.shape_cast %add3A_264 : vector<16xf32> to vector<1x16xf32>
        tpu.vector_store %arg12[%swap3A_265, %swap3A_266], %swap3A_269 {strides = array<i32>} : memref<96x256xf32, #tpu.memory_space<vmem>>, vector<1x16xf32>,
        %get3A_270 = arith.index_cast %scan3A_159 : i32 to index
        %get3A_271 = arith.constant 128 : index
        %get3A_272 = tpu.vector_load %arg12[%get3A_270, %get3A_271] {strides = array<i32>} : memref<96x256xf32, #tpu.memory_space<vmem>>, vector<1x16xf32>,
        %get3A_273 = vector.shape_cast %get3A_272 : vector<1x16xf32> to vector<16xf32>
        %get3A_274 = arith.index_cast %scan3A_159 : i32 to index
        %get3A_275 = arith.constant 128 : index
        %get3A_276 = tpu.vector_load %arg10[%get3A_274, %get3A_275] {strides = array<i32>} : memref<96x256xf32, #tpu.memory_space<vmem>>, vector<1x16xf32>,
        %get3A_277 = vector.shape_cast %get3A_276 : vector<1x16xf32> to vector<16xf32>
        %add3A_278 = arith.addf %get3A_273, %get3A_277 : vector<16xf32>
        %swap3A_279 = arith.index_cast %scan3A_159 : i32 to index
        %swap3A_280 = arith.constant 128 : index
        %swap3A_281 = tpu.vector_load %arg12[%swap3A_279, %swap3A_280] {strides = array<i32>} : memref<96x256xf32, #tpu.memory_space<vmem>>, vector<1x16xf32>,
        %swap3A_282 = vector.shape_cast %swap3A_281 : vector<1x16xf32> to vector<16xf32>
        %swap3A_283 = vector.shape_cast %add3A_278 : vector<16xf32> to vector<1x16xf32>
        tpu.vector_store %arg12[%swap3A_279, %swap3A_280], %swap3A_283 {strides = array<i32>} : memref<96x256xf32, #tpu.memory_space<vmem>>, vector<1x16xf32>,
        %get3A_284 = arith.index_cast %scan3A_159 : i32 to index
        %get3A_285 = arith.constant 144 : index
        %get3A_286 = tpu.vector_load %arg12[%get3A_284, %get3A_285] {strides = array<i32>} : memref<96x256xf32, #tpu.memory_space<vmem>>, vector<1x16xf32>,
        %get3A_287 = vector.shape_cast %get3A_286 : vector<1x16xf32> to vector<16xf32>
        %get3A_288 = arith.index_cast %scan3A_159 : i32 to index
        %get3A_289 = arith.constant 144 : index
        %get3A_290 = tpu.vector_load %arg10[%get3A_288, %get3A_289] {strides = array<i32>} : memref<96x256xf32, #tpu.memory_space<vmem>>, vector<1x16xf32>,
        %get3A_291 = vector.shape_cast %get3A_290 : vector<1x16xf32> to vector<16xf32>
        %add3A_292 = arith.addf %get3A_287, %get3A_291 : vector<16xf32>
        %swap3A_293 = arith.index_cast %scan3A_159 : i32 to index
        %swap3A_294 = arith.constant 144 : index
        %swap3A_295 = tpu.vector_load %arg12[%swap3A_293, %swap3A_294] {strides = array<i32>} : memref<96x256xf32, #tpu.memory_space<vmem>>, vector<1x16xf32>,
        %swap3A_296 = vector.shape_cast %swap3A_295 : vector<1x16xf32> to vector<16xf32>
        %swap3A_297 = vector.shape_cast %add3A_292 : vector<16xf32> to vector<1x16xf32>
        tpu.vector_store %arg12[%swap3A_293, %swap3A_294], %swap3A_297 {strides = array<i32>} : memref<96x256xf32, #tpu.memory_space<vmem>>, vector<1x16xf32>,
        %get3A_298 = arith.index_cast %scan3A_159 : i32 to index
        %get3A_299 = arith.constant 160 : index
        %get3A_300 = tpu.vector_load %arg12[%get3A_298, %get3A_299] {strides = array<i32>} : memref<96x256xf32, #tpu.memory_space<vmem>>, vector<1x16xf32>,
        %get3A_301 = vector.shape_cast %get3A_300 : vector<1x16xf32> to vector<16xf32>
        %get3A_302 = arith.index_cast %scan3A_159 : i32 to index
        %get3A_303 = arith.constant 160 : index
        %get3A_304 = tpu.vector_load %arg10[%get3A_302, %get3A_303] {strides = array<i32>} : memref<96x256xf32, #tpu.memory_space<vmem>>, vector<1x16xf32>,
        %get3A_305 = vector.shape_cast %get3A_304 : vector<1x16xf32> to vector<16xf32>
        %add3A_306 = arith.addf %get3A_301, %get3A_305 : vector<16xf32>
        %swap3A_307 = arith.index_cast %scan3A_159 : i32 to index
        %swap3A_308 = arith.constant 160 : index
        %swap3A_309 = tpu.vector_load %arg12[%swap3A_307, %swap3A_308] {strides = array<i32>} : memref<96x256xf32, #tpu.memory_space<vmem>>, vector<1x16xf32>,
        %swap3A_310 = vector.shape_cast %swap3A_309 : vector<1x16xf32> to vector<16xf32>
        %swap3A_311 = vector.shape_cast %add3A_306 : vector<16xf32> to vector<1x16xf32>
        tpu.vector_store %arg12[%swap3A_307, %swap3A_308], %swap3A_311 {strides = array<i32>} : memref<96x256xf32, #tpu.memory_space<vmem>>, vector<1x16xf32>,
        %get3A_312 = arith.index_cast %scan3A_159 : i32 to index
        %get3A_313 = arith.constant 176 : index
        %get3A_314 = tpu.vector_load %arg12[%get3A_312, %get3A_313] {strides = array<i32>} : memref<96x256xf32, #tpu.memory_space<vmem>>, vector<1x16xf32>,
        %get3A_315 = vector.shape_cast %get3A_314 : vector<1x16xf32> to vector<16xf32>
        %get3A_316 = arith.index_cast %scan3A_159 : i32 to index
        %get3A_317 = arith.constant 176 : index
        %get3A_318 = tpu.vector_load %arg10[%get3A_316, %get3A_317] {strides = array<i32>} : memref<96x256xf32, #tpu.memory_space<vmem>>, vector<1x16xf32>,
        %get3A_319 = vector.shape_cast %get3A_318 : vector<1x16xf32> to vector<16xf32>
        %add3A_320 = arith.addf %get3A_315, %get3A_319 : vector<16xf32>
        %swap3A_321 = arith.index_cast %scan3A_159 : i32 to index
        %swap3A_322 = arith.constant 176 : index
        %swap3A_323 = tpu.vector_load %arg12[%swap3A_321, %swap3A_322] {strides = array<i32>} : memref<96x256xf32, #tpu.memory_space<vmem>>, vector<1x16xf32>,
        %swap3A_324 = vector.shape_cast %swap3A_323 : vector<1x16xf32> to vector<16xf32>
        %swap3A_325 = vector.shape_cast %add3A_320 : vector<16xf32> to vector<1x16xf32>
        tpu.vector_store %arg12[%swap3A_321, %swap3A_322], %swap3A_325 {strides = array<i32>} : memref<96x256xf32, #tpu.memory_space<vmem>>, vector<1x16xf32>,
        %get3A_326 = arith.index_cast %scan3A_159 : i32 to index
        %get3A_327 = arith.constant 192 : index
        %get3A_328 = tpu.vector_load %arg12[%get3A_326, %get3A_327] {strides = array<i32>} : memref<96x256xf32, #tpu.memory_space<vmem>>, vector<1x16xf32>,
        %get3A_329 = vector.shape_cast %get3A_328 : vector<1x16xf32> to vector<16xf32>
        %get3A_330 = arith.index_cast %scan3A_159 : i32 to index
        %get3A_331 = arith.constant 192 : index
        %get3A_332 = tpu.vector_load %arg10[%get3A_330, %get3A_331] {strides = array<i32>} : memref<96x256xf32, #tpu.memory_space<vmem>>, vector<1x16xf32>,
        %get3A_333 = vector.shape_cast %get3A_332 : vector<1x16xf32> to vector<16xf32>
        %add3A_334 = arith.addf %get3A_329, %get3A_333 : vector<16xf32>
        %swap3A_335 = arith.index_cast %scan3A_159 : i32 to index
        %swap3A_336 = arith.constant 192 : index
        %swap3A_337 = tpu.vector_load %arg12[%swap3A_335, %swap3A_336] {strides = array<i32>} : memref<96x256xf32, #tpu.memory_space<vmem>>, vector<1x16xf32>,
        %swap3A_338 = vector.shape_cast %swap3A_337 : vector<1x16xf32> to vector<16xf32>
        %swap3A_339 = vector.shape_cast %add3A_334 : vector<16xf32> to vector<1x16xf32>
        tpu.vector_store %arg12[%swap3A_335, %swap3A_336], %swap3A_339 {strides = array<i32>} : memref<96x256xf32, #tpu.memory_space<vmem>>, vector<1x16xf32>,
        %get3A_340 = arith.index_cast %scan3A_159 : i32 to index
        %get3A_341 = arith.constant 208 : index
        %get3A_342 = tpu.vector_load %arg12[%get3A_340, %get3A_341] {strides = array<i32>} : memref<96x256xf32, #tpu.memory_space<vmem>>, vector<1x16xf32>,
        %get3A_343 = vector.shape_cast %get3A_342 : vector<1x16xf32> to vector<16xf32>
        %get3A_344 = arith.index_cast %scan3A_159 : i32 to index
        %get3A_345 = arith.constant 208 : index
        %get3A_346 = tpu.vector_load %arg10[%get3A_344, %get3A_345] {strides = array<i32>} : memref<96x256xf32, #tpu.memory_space<vmem>>, vector<1x16xf32>,
        %get3A_347 = vector.shape_cast %get3A_346 : vector<1x16xf32> to vector<16xf32>
        %add3A_348 = arith.addf %get3A_343, %get3A_347 : vector<16xf32>
        %swap3A_349 = arith.index_cast %scan3A_159 : i32 to index
        %swap3A_350 = arith.constant 208 : index
        %swap3A_351 = tpu.vector_load %arg12[%swap3A_349, %swap3A_350] {strides = array<i32>} : memref<96x256xf32, #tpu.memory_space<vmem>>, vector<1x16xf32>,
        %swap3A_352 = vector.shape_cast %swap3A_351 : vector<1x16xf32> to vector<16xf32>
        %swap3A_353 = vector.shape_cast %add3A_348 : vector<16xf32> to vector<1x16xf32>
        tpu.vector_store %arg12[%swap3A_349, %swap3A_350], %swap3A_353 {strides = array<i32>} : memref<96x256xf32, #tpu.memory_space<vmem>>, vector<1x16xf32>,
        %get3A_354 = arith.index_cast %scan3A_159 : i32 to index
        %get3A_355 = arith.constant 224 : index
        %get3A_356 = tpu.vector_load %arg12[%get3A_354, %get3A_355] {strides = array<i32>} : memref<96x256xf32, #tpu.memory_space<vmem>>, vector<1x16xf32>,
        %get3A_357 = vector.shape_cast %get3A_356 : vector<1x16xf32> to vector<16xf32>
        %get3A_358 = arith.index_cast %scan3A_159 : i32 to index
        %get3A_359 = arith.constant 224 : index
        %get3A_360 = tpu.vector_load %arg10[%get3A_358, %get3A_359] {strides = array<i32>} : memref<96x256xf32, #tpu.memory_space<vmem>>, vector<1x16xf32>,
        %get3A_361 = vector.shape_cast %get3A_360 : vector<1x16xf32> to vector<16xf32>
        %add3A_362 = arith.addf %get3A_357, %get3A_361 : vector<16xf32>
        %swap3A_363 = arith.index_cast %scan3A_159 : i32 to index
        %swap3A_364 = arith.constant 224 : index
        %swap3A_365 = tpu.vector_load %arg12[%swap3A_363, %swap3A_364] {strides = array<i32>} : memref<96x256xf32, #tpu.memory_space<vmem>>, vector<1x16xf32>,
        %swap3A_366 = vector.shape_cast %swap3A_365 : vector<1x16xf32> to vector<16xf32>
        %swap3A_367 = vector.shape_cast %add3A_362 : vector<16xf32> to vector<1x16xf32>
        tpu.vector_store %arg12[%swap3A_363, %swap3A_364], %swap3A_367 {strides = array<i32>} : memref<96x256xf32, #tpu.memory_space<vmem>>, vector<1x16xf32>,
        %get3A_368 = arith.index_cast %scan3A_159 : i32 to index
        %get3A_369 = arith.constant 240 : index
        %get3A_370 = tpu.vector_load %arg12[%get3A_368, %get3A_369] {strides = array<i32>} : memref<96x256xf32, #tpu.memory_space<vmem>>, vector<1x16xf32>,
        %get3A_371 = vector.shape_cast %get3A_370 : vector<1x16xf32> to vector<16xf32>
        %get3A_372 = arith.index_cast %scan3A_159 : i32 to index
        %get3A_373 = arith.constant 240 : index
        %get3A_374 = tpu.vector_load %arg10[%get3A_372, %get3A_373] {strides = array<i32>} : memref<96x256xf32, #tpu.memory_space<vmem>>, vector<1x16xf32>,
        %get3A_375 = vector.shape_cast %get3A_374 : vector<1x16xf32> to vector<16xf32>
        %add3A_376 = arith.addf %get3A_371, %get3A_375 : vector<16xf32>
        %swap3A_377 = arith.index_cast %scan3A_159 : i32 to index
        %swap3A_378 = arith.constant 240 : index
        %swap3A_379 = tpu.vector_load %arg12[%swap3A_377, %swap3A_378] {strides = array<i32>} : memref<96x256xf32, #tpu.memory_space<vmem>>, vector<1x16xf32>,
        %swap3A_380 = vector.shape_cast %swap3A_379 : vector<1x16xf32> to vector<16xf32>
        %swap3A_381 = vector.shape_cast %add3A_376 : vector<16xf32> to vector<1x16xf32>
        tpu.vector_store %arg12[%swap3A_377, %swap3A_378], %swap3A_381 {strides = array<i32>} : memref<96x256xf32, #tpu.memory_space<vmem>>, vector<1x16xf32>,
      }
      %scan3A_153 = arith.constant 96 : i32
      %add3A_154 = arith.constant 3 : i32
      %add3A_155 = arith.addi %mul3A_32, %add3A_154 : i32
      %mul3A_156 = arith.constant 16 : i32
      %mul3A_157 = arith.muli %add3A_155, %mul3A_156 : i32
      %add3A_158 = arith.addi %mul3A_157, %select_n3A_9 : i32
      "tpu.region"() ({
        %run_scoped3A = tpu.sem_alloc : memref<!tpu.dma_semaphore, #tpu.memory_space<semaphore_mem>>
        %dma_start3A_159 = arith.constant 0 : i32
        %dma_start3A_160 = tpu.memref_slice %arg6[%add3A_158, %mul3A_42, %dma_start3A_159] : memref<128x2304x256xf32, #tpu.memory_space<hbm>> -> memref<1x96x256xf32, #tpu.memory_space<hbm>>
        %dma_start3A_161 = tpu.memref_squeeze %dma_start3A_160 : memref<1x96x256xf32, #tpu.memory_space<hbm>> -> memref<96x256xf32, #tpu.memory_space<hbm>>
        %dma_start3A_162 = arith.constant 0 : i32
        %dma_start3A_163 = tpu.memref_slice %arg6[%add3A_158, %mul3A_42, %dma_start3A_162] : memref<128x2304x256xf32, #tpu.memory_space<hbm>> -> memref<1x96x256xf32, #tpu.memory_space<hbm>>
        %dma_start3A_164 = tpu.memref_squeeze %dma_start3A_163 : memref<1x96x256xf32, #tpu.memory_space<hbm>> -> memref<96x256xf32, #tpu.memory_space<hbm>>
        tpu.enqueue_dma source(%arg12 : memref<96x256xf32, #tpu.memory_space<vmem>>) target(%dma_start3A_164 : memref<96x256xf32, #tpu.memory_space<hbm>>) target_semaphore(%run_scoped3A : memref<!tpu.dma_semaphore, #tpu.memory_space<semaphore_mem>>)
        %dma_wait3A_165 = arith.constant 0 : i32
        %dma_wait3A_166 = tpu.memref_slice %arg6[%add3A_158, %mul3A_42, %dma_wait3A_165] : memref<128x2304x256xf32, #tpu.memory_space<hbm>> -> memref<1x96x256xf32, #tpu.memory_space<hbm>>
        %dma_wait3A_167 = tpu.memref_squeeze %dma_wait3A_166 : memref<1x96x256xf32, #tpu.memory_space<hbm>> -> memref<96x256xf32, #tpu.memory_space<hbm>>
        %dma_wait3A_168 = arith.constant 0 : i32
        %dma_wait3A_169 = tpu.memref_slice %arg6[%add3A_158, %mul3A_42, %dma_wait3A_168] : memref<128x2304x256xf32, #tpu.memory_space<hbm>> -> memref<1x96x256xf32, #tpu.memory_space<hbm>>
        %dma_wait3A_170 = tpu.memref_squeeze %dma_wait3A_169 : memref<1x96x256xf32, #tpu.memory_space<hbm>> -> memref<96x256xf32, #tpu.memory_space<hbm>>
        tpu.wait_dma2 semaphore(%run_scoped3A : memref<!tpu.dma_semaphore, #tpu.memory_space<semaphore_mem>>) src(%arg12 : memref<96x256xf32, #tpu.memory_space<vmem>>) dst(%dma_wait3A_170 : memref<96x256xf32, #tpu.memory_space<hbm>>)
        tpu.yield
      }) : () -> ()
    }
    %scan3A_37 = arith.constant 24 : i32
    return
  }
}

</mosaic_0001>

<sc_bundles>
// kernel: kernel.3.cloned.1.call-start
scs
__scs_entry_jumppad:
0x0: {  	(pc) =	sbr.rel $0x88, $3  }
0x1: {  	(tag) =	ssettag $0x0;
	lr =	simm.s32 $0x1  }
0x2: {  	[smem:$0x3F9D] =	sst lr;
	_ =	strace $0xD0000000  }
0x3: {  	_ = 	snop  }
0x4: {  	_ = 	snop  }
0x5: {  	_ = 	snop  }
0x6: {  	_ = 	snop  }
0x7: {  	_ = 	snop  }
__scs_overlays_trampoline_lowered:
0x8: {  	[smem:$0x3FAC] =	sst s0  }
0x9: {  	[smem:$0x3FAD] =	sst s1  }
0xa: {  	[smem:$0x3FAE] =	sst s2  }
0xb: {  	[smem:$0x3FAF] =	sst s3  }
0xc: {  	[smem:$0x3FB0] =	sst s4  }
0xd: {  	[smem:$0x3FB1] =	sst s5  }
0xe: {  	[smem:$0x3FB2] =	sst s6  }
0xf: {  	[smem:$0x3FB3] =	sst s7  }
0x10: {  	[smem:$0x3FB4] =	sst s8  }
0x11: {  	[smem:$0x3FB5] =	sst s9;
	s0 =	simm.s32 @!p0 $0x0  }
0x12: {  	s1 =	sld [smem:$0x3F9B];
	s0 =	simm.s32 @p0 $0x1  }
0x13: {  	[smem:$0x3FB6] =	sst s0;
	s0 =	simm.s32 @!p1 $0x0  }
0x14: {  	s2 =	sld [smem:$0x3F9A];
	s0 =	simm.s32 @p1 $0x1  }
0x15: {  	[smem:$0x3FB7] =	sst s0;
	s0 =	simm.s32 @!p2 $0x0  }
0x16: {  	s3 =	sld [smem:$0x3FDB];
	s0 =	simm.s32 @p2 $0x1  }
0x17: {  	s4 =	simm.s32 $0x1BF5;
	[smem:$0x3FB9] =	sst s0  }
0x18: {  	s0 =	sld [smem:$0x3F9C];
	_ =	swait.ge [sflag:s4], $0x0  }
0x19: {  	s7 =	sld [smem:$0x3F9D]  }
0x1a: {  	s8 =	sadd.s32 $0xFFFFE003, lr  }
0x1b: {  	s9 =	sadd.s32 $0xFFFFFEF7, lr;
	s5 =	simm.s32 $0xFFFFFFFF;
	p2 =	slt.u32 s8, $0xFFFFF086  }
0x1c: {  	p1 =	slt.u32 s9, $0xF7A;
	s5 =	simm.s32 @!p2 $0x0  }
0x1d: {  	s5 =	simm.s32 @p1 $0x1;
	p0 =	seq.s32 s7, s2  }
0x1e: {  	s7 =	smul.u32 @!p0 $0xF7A, s2;
	p2 =	seq.s32 @!p0 s5, $0x0  }
0x1f: {  	s9 =	smul.u32 $0xF7A, s1;
	s8 =	simm.s32 @!p0 $0x1BF5;
	p2 =	por !p2, p0  }
0x20: {  	[sflag:s8] =	ssyncset.s32 @!p0 $0xFFFFF086;
	s6 =	sadd.s32 @!p0 s3, s7;
	s7 =	simm.s32 @!p0 $0x108  }
0x21: {  	s3 =	sadd.s32 s3, s9;
	s6 =	sadd.s32 @!p0 $0x88, s6;
	s7 =	simm.s32 @p2 $0x1082  }
0x22: {  	[simem:s7], [sflag:s8] =	dma.local @!p0 [hbm:s6], $0xF7A  }
0x23: {  	s9 =	sor.u32 $0xD0000000, s2;
	s6 =	simm.s32 $0x108;
	_ =	swait.ge @!p0 [sflag:s8], $0x0  }
0x24: {  	s3 =	sadd.s32 $0x88, s3;
	s6 =	simm.s32 @!p1 $0x1082;
	[sflag:s4] =	ssyncset.s32 $0xFFFFF086  }
0x25: {  	[simem:s6], [sflag:s4] =	dma.local [hbm:s3], $0xF7A  }
0x26: {  	[smem:$0x3F9D] =	sst s1;
	(tag) =	ssettag s2;
	_ =	strace s9  }
0x27: {  	s1 =	sld [smem:$0x3FAD]  }
0x28: {  	s2 =	sld [smem:$0x3FAE]  }
0x29: {  	s4 =	sld [smem:$0x3FB0]  }
0x2a: {  	p0 =	seq.s32 s5, $0x0;
	s5 =	sld [smem:$0x3FB1]  }
0x2b: {  	s6 =	sld [smem:$0x3FB2]  }
0x2c: {  	s7 =	sld [smem:$0x3FB3]  }
0x2d: {  	s3 =	simm.s32 $0x108;
	s8 =	sld [smem:$0x3FB4]  }
0x2e: {  	s3 =	simm.s32 @!p0 $0x1082;
	s9 =	sld [smem:$0x3FB5]  }
0x2f: {  	lr =	sadd.s32 s0, s3;
	s0 =	sld [smem:$0x3FAC]  }
0x30: {  	s3 =	sld [smem:$0x3FAF]  }
0x31: {  	[smem:$0x3FB8] =	sst s10  }
0x32: {  	s10 =	sld [smem:$0x3FB6];
	_ =	sdelay $0x3  }
0x33: {  	p0 =	seq.s32 s10, $0x1;
	s10 =	sld [smem:$0x3FB8];
	_ =	sdelay $0x3  }
0x34: {  	[smem:$0x3FB8] =	sst s10  }
0x35: {  	s10 =	sld [smem:$0x3FB7];
	_ =	sdelay $0x3  }
0x36: {  	p1 =	seq.s32 s10, $0x1;
	s10 =	sld [smem:$0x3FB8];
	_ =	sdelay $0x3  }
0x37: {  	[smem:$0x3FB8] =	sst s10  }
0x38: {  	s10 =	sld [smem:$0x3FB9]  }
0x39: {  	_ = 	snop;
	(pc) =	sbr.ind lr, $3  }
0x3a: {  	_ = 	snop  }
0x3b: {  	_ = 	snop  }
0x3c: {  	p2 =	seq.s32 s10, $0x1;
	s10 =	sld [smem:$0x3FB8]  }
0x3d: {  	_ =	shalt  }
0x3e: {  	_ =	shalt  }
0x3f: {  	_ =	shalt  }
0x40: {  	_ =	shalt  }
0x41: {  	_ =	shalt  }
0x42: {  	_ =	shalt  }
0x43: {  	_ =	shalt  }
0x44: {  	_ =	shalt  }
0x45: {  	_ =	shalt  }
0x46: {  	_ =	shalt  }
0x47: {  	_ =	shalt  }
0x48: {  	_ =	shalt  }
0x49: {  	_ =	shalt  }
0x4a: {  	_ =	shalt  }
0x4b: {  	_ =	shalt  }
0x4c: {  	_ =	shalt  }
0x4d: {  	_ =	shalt  }
0x4e: {  	_ =	shalt  }
0x4f: {  	_ =	shalt  }
0x50: {  	_ =	shalt  }
0x51: {  	_ =	shalt  }
0x52: {  	_ =	shalt  }
0x53: {  	_ =	shalt  }
0x54: {  	_ =	shalt  }
0x55: {  	_ =	shalt  }
0x56: {  	_ =	shalt  }
0x57: {  	_ =	shalt  }
0x58: {  	_ =	shalt  }
0x59: {  	_ =	shalt  }
0x5a: {  	_ =	shalt  }
0x5b: {  	_ =	shalt  }
0x5c: {  	_ =	shalt  }
0x5d: {  	_ =	shalt  }
0x5e: {  	_ =	shalt  }
0x5f: {  	_ =	shalt  }
0x60: {  	_ =	shalt  }
0x61: {  	_ =	shalt  }
0x62: {  	_ =	shalt  }
0x63: {  	_ =	shalt  }
0x64: {  	_ =	shalt  }
0x65: {  	_ =	shalt  }
0x66: {  	_ =	shalt  }
0x67: {  	_ =	shalt  }
0x68: {  	_ =	shalt  }
0x69: {  	_ =	shalt  }
0x6a: {  	_ =	shalt  }
0x6b: {  	_ =	shalt  }
0x6c: {  	_ =	shalt  }
0x6d: {  	_ =	shalt  }
0x6e: {  	_ =	shalt  }
0x6f: {  	_ =	shalt  }
0x70: {  	_ =	shalt  }
0x71: {  	_ =	shalt  }
0x72: {  	_ =	shalt  }
0x73: {  	_ =	shalt  }
0x74: {  	_ =	shalt  }
0x75: {  	_ =	shalt  }
0x76: {  	_ =	shalt  }
0x77: {  	_ =	shalt  }
0x78: {  	_ =	shalt  }
0x79: {  	_ =	shalt  }
0x7a: {  	_ =	shalt  }
0x7b: {  	_ =	shalt  }
0x7c: {  	_ =	shalt  }
0x7d: {  	_ =	shalt  }
0x7e: {  	_ =	shalt  }
0x7f: {  	_ =	shalt  }
0x80: {  	_ =	shalt  }
0x81: {  	_ =	shalt  }
0x82: {  	_ =	shalt  }
0x83: {  	_ =	shalt  }
0x84: {  	_ =	shalt  }
0x85: {  	_ =	shalt  }
0x86: {  	_ =	shalt  }
0x87: {  	_ =	shalt  }
.Lfunc_end0:
.L_simem_size_0:
called_computation_lowered:
.L_overlay_start_0:
0x88: {  	s2 =	sld [smem:$0x3FD9]  }
0x89: {  	s3 =	sld [smem:$0x3FFE];
	_ =	sdelay $0x1  }
0x8a: {  	s1 =	srdreg.scid  }
0x8b: {  	s0 =	sand.u32 $0x1, s1  }
0x8c: {  	s17 =	sshll.u32 s0, $0xA;
	s2 =	sadd.s32 s3, s2  }
0x8d: {  	s2 =	sadd.s32 s2, s17  }
0x8e: {  	[smem:$0x3FC4] =	sst s2  }
0x8f: {  	_ = 	snop  }
0x90: {  	s2 =	sld [smem:$0x3FC9]  }
0x91: {  	s18 =	sld [smem:$0x3FD0];
	(tm) =	ssettm $0x1  }
0x92: {  	s4 =	sld [smem:$0x3FFB];
	_ =	sdelay $0x3  }
0x93: {  	_ =	strace s4  }
0x94: {  	s4 =	sld [smem:$0x3FFC];
	_ =	sdelay $0x3  }
0x95: {  	_ =	strace s4  }
0x96: {  	s4 =	sld [smem:$0x3FFD];
	_ =	sdelay $0x3  }
0x97: {  	_ =	strace s4  }
0x98: {  	_ =	strace $0x8FFFFFFF  }
0x99: {  	s19 =	sld [smem:$0x3FDB];
	_ =	sdelay $0x1  }
0x9a: {  	s5 =	simm.s32 $_scs_section_size  }
0x9b: {  	s6 =	simm.s32 $_size__tile_overlayer_lowered;
	s7 =	simm.s32 $_tile_overlayer_lowered  }
0x9c: {  	s22 =	simm.s32 $0x1BFF;
	s21 =	sshll.u32 s7, $0x1;
	s4 =	sadd.s32 s5, s19  }
0x9d: {  	s8 =	simm.s32 $0x0;
	s20 =	sshll.u32 s6, $0x1;
	s6 =	sadd.s32 s21, s4  }
0x9e: {  	[timem:s8], [sflag:s22] =	dma.local [hbm:s6], s20  }
0x9f: {  	_ =	swait.ge [sflag:s22], s20  }
0xa0: {  	s5 =	ssub.s32 $0x0, s20;
	[sflag:s22] =	ssyncset.done $0x0  }
0xa1: {  	[sflag:s22] =	ssyncadd.s32 s5;
	_ =	sdelay $0x1  }
0xa2: {  	s23 =	simm.s32 $0x1B8B  }
0xa3: {  	_ =	swait.ge [sflag:s23], $0x1  }
0xa4: {  	[sflag:s23] =	ssyncset.done $0x0  }
0xa5: {  	s25 =	simm.s32 $0x1B8E;
	s24 =	sld [smem:$0x3FFE];
	[sflag:s23] =	ssyncadd.s32 $0xFFFFFFFF  }
0xa6: {  	s26 =	simm.s32 $execute0_lowered;
	[smem:$0x3FD2] =	sst s25  }
0xa7: {  	s6 =	sshll.u32 s26, $0x1;
	_ =	strace $0x80000046;
	[dreg:$0x1] =	wrdreg $0xFFFFFFFF  }
0xa8: {  	s28 =	simm.s32 $_size_execute0_lowered;
	s4 =	sadd.s32 s4, s6;
	[dreg:$0x0] =	wrdreg $0x0  }
0xa9: {  	s6 =	sshll.u32 s28, $0x1;
	[dreg:$0x2] =	wrdreg s4  }
0xaa: {  	[dreg:$0x3] =	wrdreg s6  }
0xab: {  	[dreg:$0x4] =	wrdreg $0xC0  }
0xac: {  	_ =	task [dreg:s8], $0x5FFFF  }
0xad: {  	[dreg:$0x1] =	wrdreg $0xFFFFFFFF  }
0xae: {  	[dreg:$0x0] =	wrdreg $0x60  }
0xaf: {  	[dreg:$0x2] =	wrdreg s2  }
0xb0: {  	[dreg:$0x3] =	wrdreg s24  }
0xb1: {  	[dreg:$0x4] =	wrdreg s18  }
0xb2: {  	[dreg:$0x5] =	wrdreg $0x9  }
0xb3: {  	_ =	task.clear_ibuf [dreg:s8], $0x6FFFF;
	_ =	strace $0x90000046  }
0xb4: {  	s29 =	simm.s32 $0x9;
	_ =	strace $0x80000048  }
0xb5: {  	_ =	swait.ge [sflag:s29], $0x1  }
0xb6: {  	[sflag:s29] =	ssyncadd.s32 $0xFFFFFFFF  }
0xb7: {  	_ =	strace $0x90000048  }
0xb8: {  	_ =	sfence  }
0xb9: {  	s30 =	sld [smem:$0x0];
	_ =	sdelay $0x2  }
0xba: {  	s31 =	sshll.u32 s1, $0xD;
	s1 =	sshrl.u32 s1, $0x2  }
0xbb: {  	s3 =	sand.u32 $0x4000, s31;
	s1 =	sadd.s32 s1, s30  }
0xbc: {  	s0 =	sor.u32 s3, s0;
	s1 =	sshll.u32 s1, $0x11  }
0xbd: {  	s0 =	sor.u32 s1, s0  }
0xbe: {  	s0 =	sadd.s32 $0x8F2B, s0  }
0xbf: {  	[sflag:s0] =	ssyncadd.remote.s32 $0x1  }
0xc0: {  	_ =	sfence.sel $0xFFFF  }
0xc1: {  	[dreg:$0x0] =	wrdreg $0xFFFFFFFF;
	(pc) =	sbr.abs _section_cstart, $3  }
0xc2: {  	[dreg:$0x1] =	wrdreg $0xFFFFFFFF  }
0xc3: {  	_ =	task.clear_ibuf [dreg:s8], $0x2FFFF;
	_ =	strace $0x9FFFFFFF  }
0xc4: {  	(tm) =	ssettm $0x7FFFFFFF  }
0xc5: {  	_ =	shalt  }
tec
execute0_lowered:
.L_overlay_start_1:
0x0: {  	(tag) =	ssettag $0x1  }
0x1: {  	s1 =	rddreg [dreg:$0x0]  }
0x2: {  	s0 =	rddreg [dreg:$0x1]  }
0x3: {  	s3 =	rddreg [dreg:$0x2];
	s4 =	simm.s32 $0x0;
	s8 =	stileid.u32  }
0x4: {  	s5 =	srdreg.scid;
	s13 =	simm.s32 $0x3;
	s15 =	simm.s32 $0x80  }
0x5: {  	s16 =	simm.s32 $0x400;
	s17 =	simm.s32 $0x6000;
	s18 =	simm.s32 $0xC100  }
0x6: {  	s19 =	simm.s32 $0x12100;
	s20 =	simm.s32 $0x1;
	s21 =	simm.s32 $0x2  }
0x7: {  	s22 =	simm.s32 $0x0;
	[smem:$0x7FF] =	sst s4;
	s2 =	sshll.u32 s8, $0x6  }
0x8: {  	s6 =	sshll.u32 s8, $0x1;
	s7 =	sand.u32 $0x1, s5;
	s8 =	sshll.u32 s8, $0x3  }
0x9: {  	s5 =	sadd.s32 $0x600, s0;
	_ =	strace $0x80000047;
	s6 =	sand.u32 $0xE, s6  }
0xa: {  	s2 =	sand.u32 $0x100, s2;
	s8 =	sand.u32 $0x40, s8;
	s6 =	sor.u32 s7, s6  }
0xb: {  	s9 =	ssub.s32 $0x2, s7;
	s2 =	sadd.s32 s2, s0;
	s29 =	sshll.u32 s6, $0x4  }
0xc: {  	s30 =	sshrl.u32 s9, $0x1;
	s6 =	sor.u32 s8, s6;
	s10 =	sand.u32 $0x70, s29  }
0xd: {  	s31 =	ssub.s32 s9, s30;
	s6 =	smul.u32 $0x90000, s6;
	s2 =	sadd.s32 s10, s2  }
0xe: {  	s7 =	sadd.s32 $0xC00, s0;
	s12 =	smax.u32 s31, $0x1;
	s8 =	sadd.s32 $0x400, s2  }
0xf: {  	s9 =	sadd.s32 $0x900000, s6;
	s10 =	sadd.s32 $0x1200000, s6;
	s11 =	sadd.s32 $0x1B00000, s6  }
.LBB2_1:
0x10: {  	[tilespmem:s4], [sflag:$0x3] =	stream.linear.gather [hbm4b:s5+s4], $0x3000, $0x38;
	[tilespmem:$0x18100] =	vst v63  }
0x11: {  	_ =	swait.ge [sflag:s13], $0x3000  }
0x12: {  	[sflag:s13] =	ssyncset.done $0x0  }
0x13: {  	s0 =	simm.s32 $0x3000;
	[sflag:s13] =	ssyncadd.s32 $0xFFFFD000  }
0x14: {  	[tilespmem:s0], [sflag:$0x3] =	stream.linear.gather [hbm4b:s7+s4], $0x3000, $0x38;
	[tilespmem:$0x18100] =	vst v63  }
0x15: {  	_ =	swait.ge [sflag:s13], $0x3000  }
0x16: {  	[sflag:s13] =	ssyncset.done $0x0  }
0x17: {  	[sflag:s13] =	ssyncadd.s32 $0xFFFFD000  }
0x18: {  	[tilespmem:s17], [sflag:$0x3] =	stream.strided.gather [hbm4b:s8+s15], $0x100, s16, s15, $0x38;
	[tilespmem:$0x18100] =	vst v63  }
0x19: {  	_ =	swait.ge [sflag:s13], $0x100  }
0x1a: {  	[sflag:s13] =	ssyncset.done $0x0  }
0x1b: {  	s23 =	simm.s32 $0x0;
	[sflag:s13] =	ssyncadd.s32 $0xFFFFFF00  }
.LBB2_2:
0x1c: {  	s0 =	sshll.u32 s23, $0x9  }
0x1d: {  	s0 =	sand.u32 $0x3800, s0  }
0x1e: {  	v0 =	vmov s0  }
0x1f: {  	p0 =	por $0x0, $0x0;
	s24 =	sshll.u32 s23, $0x8;
	s0 =	simm.s32 $0x80  }
0x20: {  	s2 =	simm.s32 $0x0;
	s25 =	simm.s32 $0xFFFFFFD0;
	s0 =	simm.s32 @!p0 $0x2F  }
0x21: {  	s25 =	smin.u32 s2, s25;
	s0 =	sor.u32 s24, s0  }
0x22: {  	v2 =	vld [tilespmem:$0x6000];
	s26 =	sshll.u32 s25, $0x8;
	s25 =	sshll.u32 s25, $0x7;
	s0 =	sand.u32 $0x380, s0  }
0x23: {  	s26 =	sand.u32 $0x3800, s26;
	s25 =	sand.u32 $0x380, s25;
	v1 =	vld.idx.msk [tilespmem:v0+s0+$0x0 ss:$0x1], $0xffff  }
0x24: {  	s26 =	sor.u32 s25, s26  }
0x25: {  	v3 =	vld [tilespmem:s26+$0x3000];
	_ =	sdelay $0x2  }
0x26: {  	v1 =	vadd.f32 v1, v2;
	_ =	sdelay $0x1  }
0x27: {  	s30 =	sand.u32 $0x7800, s2;
	s2 =	sand.u32 $0x380, s2;
	v1 =	vadd.f32 v3, v1  }
0x28: {  	s25 =	sor.u32 s2, s30  }
0x29: {  	[tilespmem:s25+$0x6100] =	vst v1  }
0x2a: {  	v1 =	vld.idx.msk [tilespmem:v0+s0+$0x10 ss:$0x1], $0xffff  }
0x2b: {  	v2 =	vld [tilespmem:$0x6010];
	_ =	sdelay $0x1  }
0x2c: {  	v3 =	vld [tilespmem:s26+$0x3010];
	_ =	sdelay $0x2  }
0x2d: {  	v1 =	vadd.f32 v1, v2;
	_ =	sdelay $0x1  }
0x2e: {  	v1 =	vadd.f32 v3, v1;
	_ =	sdelay $0x1  }
0x2f: {  	[tilespmem:s25+$0x6110] =	vst v1  }
0x30: {  	v1 =	vld.idx.msk [tilespmem:v0+s0+$0x20 ss:$0x1], $0xffff  }
0x31: {  	v2 =	vld [tilespmem:$0x6020];
	_ =	sdelay $0x1  }
0x32: {  	v3 =	vld [tilespmem:s26+$0x3020];
	_ =	sdelay $0x2  }
0x33: {  	v1 =	vadd.f32 v1, v2;
	_ =	sdelay $0x1  }
0x34: {  	v1 =	vadd.f32 v3, v1;
	_ =	sdelay $0x1  }
0x35: {  	[tilespmem:s25+$0x6120] =	vst v1  }
0x36: {  	v1 =	vld.idx.msk [tilespmem:v0+s0+$0x30 ss:$0x1], $0xffff  }
0x37: {  	v2 =	vld [tilespmem:$0x6030];
	_ =	sdelay $0x1  }
0x38: {  	v3 =	vld [tilespmem:s26+$0x3030];
	_ =	sdelay $0x2  }
0x39: {  	v1 =	vadd.f32 v1, v2;
	_ =	sdelay $0x1  }
0x3a: {  	v1 =	vadd.f32 v3, v1;
	_ =	sdelay $0x1  }
0x3b: {  	[tilespmem:s25+$0x6130] =	vst v1  }
0x3c: {  	v1 =	vld.idx.msk [tilespmem:v0+s0+$0x40 ss:$0x1], $0xffff  }
0x3d: {  	v2 =	vld [tilespmem:$0x6040];
	_ =	sdelay $0x1  }
0x3e: {  	v3 =	vld [tilespmem:s26+$0x3040];
	_ =	sdelay $0x2  }
0x3f: {  	v1 =	vadd.f32 v1, v2;
	_ =	sdelay $0x1  }
0x40: {  	v1 =	vadd.f32 v3, v1;
	_ =	sdelay $0x1  }
0x41: {  	[tilespmem:s25+$0x6140] =	vst v1  }
0x42: {  	v1 =	vld.idx.msk [tilespmem:v0+s0+$0x50 ss:$0x1], $0xffff  }
0x43: {  	v2 =	vld [tilespmem:$0x6050];
	_ =	sdelay $0x1  }
0x44: {  	v3 =	vld [tilespmem:s26+$0x3050];
	_ =	sdelay $0x2  }
0x45: {  	v1 =	vadd.f32 v1, v2;
	_ =	sdelay $0x1  }
0x46: {  	v1 =	vadd.f32 v3, v1;
	_ =	sdelay $0x1  }
0x47: {  	[tilespmem:s25+$0x6150] =	vst v1  }
0x48: {  	v1 =	vld.idx.msk [tilespmem:v0+s0+$0x60 ss:$0x1], $0xffff  }
0x49: {  	v2 =	vld [tilespmem:$0x6060];
	_ =	sdelay $0x1  }
0x4a: {  	v3 =	vld [tilespmem:s26+$0x3060];
	_ =	sdelay $0x2  }
0x4b: {  	v1 =	vadd.f32 v1, v2;
	_ =	sdelay $0x1  }
0x4c: {  	v1 =	vadd.f32 v3, v1;
	_ =	sdelay $0x1  }
0x4d: {  	[tilespmem:s25+$0x6160] =	vst v1  }
0x4e: {  	v1 =	vld.idx.msk [tilespmem:v0+s0+$0x70 ss:$0x1], $0xffff  }
0x4f: {  	v2 =	vld [tilespmem:$0x6070];
	_ =	sdelay $0x1  }
0x50: {  	v3 =	vld [tilespmem:s26+$0x3070];
	_ =	sdelay $0x2  }
0x51: {  	v1 =	vadd.f32 v1, v2;
	_ =	sdelay $0x1  }
0x52: {  	v1 =	vadd.f32 v3, v1;
	_ =	sdelay $0x1  }
0x53: {  	[tilespmem:s25+$0x6170] =	vst v1  }
0x54: {  	v1 =	vld.idx.msk [tilespmem:v0+s0+$0x400 ss:$0x1], $0xffff  }
0x55: {  	v2 =	vld [tilespmem:$0x6080];
	_ =	sdelay $0x1  }
0x56: {  	v3 =	vld [tilespmem:s26+$0x3400];
	_ =	sdelay $0x2  }
0x57: {  	v1 =	vadd.f32 v1, v2;
	_ =	sdelay $0x1  }
0x58: {  	v1 =	vadd.f32 v3, v1;
	_ =	sdelay $0x1  }
0x59: {  	[tilespmem:s25+$0x6500] =	vst v1  }
0x5a: {  	v1 =	vld.idx.msk [tilespmem:v0+s0+$0x410 ss:$0x1], $0xffff  }
0x5b: {  	v2 =	vld [tilespmem:$0x6090];
	_ =	sdelay $0x1  }
0x5c: {  	v3 =	vld [tilespmem:s26+$0x3410];
	_ =	sdelay $0x2  }
0x5d: {  	v1 =	vadd.f32 v1, v2;
	_ =	sdelay $0x1  }
0x5e: {  	v1 =	vadd.f32 v3, v1;
	_ =	sdelay $0x1  }
0x5f: {  	[tilespmem:s25+$0x6510] =	vst v1  }
0x60: {  	v1 =	vld.idx.msk [tilespmem:v0+s0+$0x420 ss:$0x1], $0xffff  }
0x61: {  	v2 =	vld [tilespmem:$0x60A0];
	_ =	sdelay $0x1  }
0x62: {  	v3 =	vld [tilespmem:s26+$0x3420];
	_ =	sdelay $0x2  }
0x63: {  	v1 =	vadd.f32 v1, v2;
	_ =	sdelay $0x1  }
0x64: {  	v1 =	vadd.f32 v3, v1;
	_ =	sdelay $0x1  }
0x65: {  	[tilespmem:s25+$0x6520] =	vst v1  }
0x66: {  	v1 =	vld.idx.msk [tilespmem:v0+s0+$0x430 ss:$0x1], $0xffff  }
0x67: {  	v2 =	vld [tilespmem:$0x60B0];
	_ =	sdelay $0x1  }
0x68: {  	v3 =	vld [tilespmem:s26+$0x3430];
	_ =	sdelay $0x2  }
0x69: {  	v1 =	vadd.f32 v1, v2;
	_ =	sdelay $0x1  }
0x6a: {  	v1 =	vadd.f32 v3, v1;
	_ =	sdelay $0x1  }
0x6b: {  	[tilespmem:s25+$0x6530] =	vst v1  }
0x6c: {  	v1 =	vld.idx.msk [tilespmem:v0+s0+$0x440 ss:$0x1], $0xffff  }
0x6d: {  	v2 =	vld [tilespmem:$0x60C0];
	_ =	sdelay $0x1  }
0x6e: {  	v3 =	vld [tilespmem:s26+$0x3440];
	_ =	sdelay $0x2  }
0x6f: {  	v1 =	vadd.f32 v1, v2;
	_ =	sdelay $0x1  }
0x70: {  	v1 =	vadd.f32 v3, v1;
	_ =	sdelay $0x1  }
0x71: {  	[tilespmem:s25+$0x6540] =	vst v1  }
0x72: {  	v1 =	vld.idx.msk [tilespmem:v0+s0+$0x450 ss:$0x1], $0xffff  }
0x73: {  	v2 =	vld [tilespmem:$0x60D0];
	_ =	sdelay $0x1  }
0x74: {  	v3 =	vld [tilespmem:s26+$0x3450];
	_ =	sdelay $0x2  }
0x75: {  	v1 =	vadd.f32 v1, v2;
	_ =	sdelay $0x1  }
0x76: {  	v1 =	vadd.f32 v3, v1;
	_ =	sdelay $0x1  }
0x77: {  	[tilespmem:s25+$0x6550] =	vst v1  }
0x78: {  	v1 =	vld.idx.msk [tilespmem:v0+s0+$0x460 ss:$0x1], $0xffff  }
0x79: {  	v2 =	vld [tilespmem:$0x60E0];
	_ =	sdelay $0x1  }
0x7a: {  	v3 =	vld [tilespmem:s26+$0x3460];
	_ =	sdelay $0x2  }
0x7b: {  	v1 =	vadd.f32 v1, v2;
	_ =	sdelay $0x1  }
0x7c: {  	v1 =	vadd.f32 v3, v1;
	_ =	sdelay $0x1  }
0x7d: {  	[tilespmem:s25+$0x6560] =	vst v1  }
0x7e: {  	v1 =	vld.idx.msk [tilespmem:v0+s0+$0x470 ss:$0x1], $0xffff  }
0x7f: {  	v2 =	vld [tilespmem:$0x60F0];
	_ =	sdelay $0x1  }
0x80: {  	v3 =	vld [tilespmem:s26+$0x3470];
	_ =	sdelay $0x2  }
0x81: {  	s29 =	simm.s32 $0x1;
	p0 =	por $0x0, $0x0;
	s2 =	simm.s32 $0x80;
	v1 =	vadd.f32 v1, v2  }
0x82: {  	s31 =	simm.s32 $0xFFFFFFD1;
	s28 =	simm.s32 $0x80;
	s2 =	simm.s32 @!p0 $0x2F  }
0x83: {  	s2 =	sor.u32 s24, s2;
	s0 =	simm.s32 $0x2;
	s26 =	simm.s32 $0x100;
	v1 =	vadd.f32 v3, v1  }
.LBB2_3:
0x84: {  	s14 =	smin.u32 s29, s31  }
0x85: {  	s31 =	sand.u32 $0x380, s2;
	[tilespmem:s25+$0x6570] =	vst v1;
	s29 =	smov.u32 s0;
	s30 =	sadd.s32 $0x1, s0  }
0x86: {  	p0 =	sne.s32 s0, $0x5F;
	v1 =	vld.idx.msk [tilespmem:v0+s31+$0x0 ss:$0x1], $0xffff;
	s0 =	sshll.u32 s14, $0x8;
	s2 =	sshll.u32 s14, $0x7  }
0x87: {  	v2 =	vld [tilespmem:$0x6000];
	s0 =	sand.u32 $0x3800, s0;
	s2 =	sand.u32 $0x380, s2  }
0x88: {  	s0 =	sor.u32 s2, s0  }
0x89: {  	v3 =	vld [tilespmem:s0+$0x3000];
	_ =	sdelay $0x2  }
0x8a: {  	v1 =	vadd.f32 v1, v2;
	_ =	sdelay $0x1  }
0x8b: {  	s14 =	sand.u32 $0x380, s28;
	s2 =	sand.u32 $0x7800, s26;
	v1 =	vadd.f32 v3, v1  }
0x8c: {  	s25 =	sor.u32 s14, s2  }
0x8d: {  	[tilespmem:s25+$0x6100] =	vst v1  }
0x8e: {  	v1 =	vld.idx.msk [tilespmem:v0+s31+$0x10 ss:$0x1], $0xffff  }
0x8f: {  	v2 =	vld [tilespmem:$0x6010];
	_ =	sdelay $0x1  }
0x90: {  	v3 =	vld [tilespmem:s0+$0x3010];
	_ =	sdelay $0x2  }
0x91: {  	v1 =	vadd.f32 v1, v2;
	_ =	sdelay $0x1  }
0x92: {  	v1 =	vadd.f32 v3, v1;
	_ =	sdelay $0x1  }
0x93: {  	[tilespmem:s25+$0x6110] =	vst v1  }
0x94: {  	v1 =	vld.idx.msk [tilespmem:v0+s31+$0x20 ss:$0x1], $0xffff  }
0x95: {  	v2 =	vld [tilespmem:$0x6020];
	_ =	sdelay $0x1  }
0x96: {  	v3 =	vld [tilespmem:s0+$0x3020];
	_ =	sdelay $0x2  }
0x97: {  	v1 =	vadd.f32 v1, v2;
	_ =	sdelay $0x1  }
0x98: {  	v1 =	vadd.f32 v3, v1;
	_ =	sdelay $0x1  }
0x99: {  	[tilespmem:s25+$0x6120] =	vst v1  }
0x9a: {  	v1 =	vld.idx.msk [tilespmem:v0+s31+$0x30 ss:$0x1], $0xffff  }
0x9b: {  	v2 =	vld [tilespmem:$0x6030];
	_ =	sdelay $0x1  }
0x9c: {  	v3 =	vld [tilespmem:s0+$0x3030];
	_ =	sdelay $0x2  }
0x9d: {  	v1 =	vadd.f32 v1, v2;
	_ =	sdelay $0x1  }
0x9e: {  	v1 =	vadd.f32 v3, v1;
	_ =	sdelay $0x1  }
0x9f: {  	[tilespmem:s25+$0x6130] =	vst v1  }
0xa0: {  	v1 =	vld.idx.msk [tilespmem:v0+s31+$0x40 ss:$0x1], $0xffff  }
0xa1: {  	v2 =	vld [tilespmem:$0x6040];
	_ =	sdelay $0x1  }
0xa2: {  	v3 =	vld [tilespmem:s0+$0x3040];
	_ =	sdelay $0x2  }
0xa3: {  	v1 =	vadd.f32 v1, v2;
	_ =	sdelay $0x1  }
0xa4: {  	v1 =	vadd.f32 v3, v1;
	_ =	sdelay $0x1  }
0xa5: {  	[tilespmem:s25+$0x6140] =	vst v1  }
0xa6: {  	v1 =	vld.idx.msk [tilespmem:v0+s31+$0x50 ss:$0x1], $0xffff  }
0xa7: {  	v2 =	vld [tilespmem:$0x6050];
	_ =	sdelay $0x1  }
0xa8: {  	v3 =	vld [tilespmem:s0+$0x3050];
	_ =	sdelay $0x2  }
0xa9: {  	v1 =	vadd.f32 v1, v2;
	_ =	sdelay $0x1  }
0xaa: {  	v1 =	vadd.f32 v3, v1;
	_ =	sdelay $0x1  }
0xab: {  	[tilespmem:s25+$0x6150] =	vst v1  }
0xac: {  	v1 =	vld.idx.msk [tilespmem:v0+s31+$0x60 ss:$0x1], $0xffff  }
0xad: {  	v2 =	vld [tilespmem:$0x6060];
	_ =	sdelay $0x1  }
0xae: {  	v3 =	vld [tilespmem:s0+$0x3060];
	_ =	sdelay $0x2  }
0xaf: {  	v1 =	vadd.f32 v1, v2;
	_ =	sdelay $0x1  }
0xb0: {  	v1 =	vadd.f32 v3, v1;
	_ =	sdelay $0x1  }
0xb1: {  	[tilespmem:s25+$0x6160] =	vst v1  }
0xb2: {  	v1 =	vld.idx.msk [tilespmem:v0+s31+$0x70 ss:$0x1], $0xffff  }
0xb3: {  	v2 =	vld [tilespmem:$0x6070];
	_ =	sdelay $0x1  }
0xb4: {  	v3 =	vld [tilespmem:s0+$0x3070];
	_ =	sdelay $0x2  }
0xb5: {  	v1 =	vadd.f32 v1, v2;
	_ =	sdelay $0x1  }
0xb6: {  	v1 =	vadd.f32 v3, v1;
	_ =	sdelay $0x1  }
0xb7: {  	[tilespmem:s25+$0x6170] =	vst v1  }
0xb8: {  	v1 =	vld.idx.msk [tilespmem:v0+s31+$0x400 ss:$0x1], $0xffff  }
0xb9: {  	v2 =	vld [tilespmem:$0x6080];
	_ =	sdelay $0x1  }
0xba: {  	v3 =	vld [tilespmem:s0+$0x3400];
	_ =	sdelay $0x2  }
0xbb: {  	v1 =	vadd.f32 v1, v2;
	_ =	sdelay $0x1  }
0xbc: {  	v1 =	vadd.f32 v3, v1;
	_ =	sdelay $0x1  }
0xbd: {  	[tilespmem:s25+$0x6500] =	vst v1  }
0xbe: {  	v1 =	vld.idx.msk [tilespmem:v0+s31+$0x410 ss:$0x1], $0xffff  }
0xbf: {  	v2 =	vld [tilespmem:$0x6090]  }
0xc0: {  	v3 =	vld [tilespmem:s0+$0x3410];
	_ =	sdelay $0x3  }
0xc1: {  	v1 =	vadd.f32 v1, v2;
	_ =	sdelay $0x1  }
0xc2: {  	v1 =	vadd.f32 v3, v1;
	_ =	sdelay $0x1  }
0xc3: {  	[tilespmem:s25+$0x6510] =	vst v1  }
0xc4: {  	v1 =	vld.idx.msk [tilespmem:v0+s31+$0x420 ss:$0x1], $0xffff  }
0xc5: {  	v2 =	vld [tilespmem:$0x60A0]  }
0xc6: {  	v3 =	vld [tilespmem:s0+$0x3420];
	_ =	sdelay $0x3  }
0xc7: {  	v1 =	vadd.f32 v1, v2;
	_ =	sdelay $0x1  }
0xc8: {  	v1 =	vadd.f32 v3, v1;
	_ =	sdelay $0x1  }
0xc9: {  	[tilespmem:s25+$0x6520] =	vst v1  }
0xca: {  	v1 =	vld.idx.msk [tilespmem:v0+s31+$0x430 ss:$0x1], $0xffff  }
0xcb: {  	v2 =	vld [tilespmem:$0x60B0]  }
0xcc: {  	v3 =	vld [tilespmem:s0+$0x3430];
	_ =	sdelay $0x3  }
0xcd: {  	v1 =	vadd.f32 v1, v2;
	_ =	sdelay $0x1  }
0xce: {  	v1 =	vadd.f32 v3, v1;
	_ =	sdelay $0x1  }
0xcf: {  	[tilespmem:s25+$0x6530] =	vst v1  }
0xd0: {  	v1 =	vld.idx.msk [tilespmem:v0+s31+$0x440 ss:$0x1], $0xffff  }
0xd1: {  	v2 =	vld [tilespmem:$0x60C0]  }
0xd2: {  	v3 =	vld [tilespmem:s0+$0x3440];
	_ =	sdelay $0x3  }
0xd3: {  	v1 =	vadd.f32 v1, v2;
	_ =	sdelay $0x1  }
0xd4: {  	v1 =	vadd.f32 v3, v1;
	_ =	sdelay $0x1  }
0xd5: {  	[tilespmem:s25+$0x6540] =	vst v1  }
0xd6: {  	v1 =	vld.idx.msk [tilespmem:v0+s31+$0x450 ss:$0x1], $0xffff  }
0xd7: {  	v2 =	vld [tilespmem:$0x60D0]  }
0xd8: {  	v3 =	vld [tilespmem:s0+$0x3450];
	_ =	sdelay $0x3  }
0xd9: {  	v1 =	vadd.f32 v1, v2;
	_ =	sdelay $0x1  }
0xda: {  	v1 =	vadd.f32 v3, v1;
	_ =	sdelay $0x1  }
0xdb: {  	[tilespmem:s25+$0x6550] =	vst v1  }
0xdc: {  	v1 =	vld.idx.msk [tilespmem:v0+s31+$0x460 ss:$0x1], $0xffff  }
0xdd: {  	v2 =	vld [tilespmem:$0x60E0]  }
0xde: {  	v3 =	vld [tilespmem:s0+$0x3460];
	_ =	sdelay $0x3  }
0xdf: {  	v1 =	vadd.f32 v1, v2;
	_ =	sdelay $0x1  }
0xe0: {  	v1 =	vadd.f32 v3, v1;
	_ =	sdelay $0x1  }
0xe1: {  	[tilespmem:s25+$0x6560] =	vst v1  }
0xe2: {  	v1 =	vld.idx.msk [tilespmem:v0+s31+$0x470 ss:$0x1], $0xffff  }
0xe3: {  	v2 =	vld [tilespmem:$0x60F0]  }
0xe4: {  	v3 =	vld [tilespmem:s0+$0x3470];
	_ =	sdelay $0x2  }
.Ltmp0:
0xe5: {  	(pc) =	sbr.rel @p0 .LBB2_3-.Ltmp0, $4  }
0xe6: {  	v1 =	vadd.f32 v1, v2  }
0xe7: {  	p1 =	sgt.u32 s29, $0x2F;
	s0 =	simm.s32 $0x80  }
0xe8: {  	s28 =	sadd.s32 $0x80, s28;
	s26 =	sadd.s32 $0x100, s26;
	s0 =	simm.s32 @!p1 $0x2F;
	v1 =	vadd.f32 v3, v1  }
0xe9: {  	s31 =	sadd.s32 $0xFFFFFFD0, s29;
	s2 =	sor.u32 s24, s0;
	s0 =	smov.u32 s30  }
0xea: {  	_ =	sdelay $0x2  }
0xeb: {  	s14 =	smin.u32 s29, s31;
	s0 =	sand.u32 $0x380, s2;
	[tilespmem:s25+$0x6570] =	vst v1  }
0xec: {  	v1 =	vld.idx.msk [tilespmem:v0+s0+$0x0 ss:$0x1], $0xffff;
	s25 =	sshll.u32 s14, $0x8;
	s14 =	sshll.u32 s14, $0x7  }
0xed: {  	v2 =	vld [tilespmem:$0x6000];
	s2 =	sand.u32 $0x3800, s25;
	s14 =	sand.u32 $0x380, s14  }
0xee: {  	s24 =	sor.u32 s14, s2  }
0xef: {  	v3 =	vld [tilespmem:s24+$0x3000];
	_ =	sdelay $0x2  }
0xf0: {  	v1 =	vadd.f32 v1, v2;
	_ =	sdelay $0x1  }
0xf1: {  	s26 =	sand.u32 $0x7800, s26;
	s30 =	sand.u32 $0x380, s28;
	v1 =	vadd.f32 v3, v1  }
0xf2: {  	s31 =	sor.u32 s30, s26  }
0xf3: {  	[tilespmem:s31+$0x6100] =	vst v1  }
0xf4: {  	v1 =	vld.idx.msk [tilespmem:v0+s0+$0x10 ss:$0x1], $0xffff  }
0xf5: {  	v2 =	vld [tilespmem:$0x6010];
	_ =	sdelay $0x1  }
0xf6: {  	v3 =	vld [tilespmem:s24+$0x3010];
	_ =	sdelay $0x2  }
0xf7: {  	v1 =	vadd.f32 v1, v2;
	_ =	sdelay $0x1  }
0xf8: {  	v1 =	vadd.f32 v3, v1;
	_ =	sdelay $0x1  }
0xf9: {  	[tilespmem:s31+$0x6110] =	vst v1  }
0xfa: {  	v1 =	vld.idx.msk [tilespmem:v0+s0+$0x20 ss:$0x1], $0xffff  }
0xfb: {  	v2 =	vld [tilespmem:$0x6020];
	_ =	sdelay $0x1  }
0xfc: {  	v3 =	vld [tilespmem:s24+$0x3020];
	_ =	sdelay $0x2  }
0xfd: {  	v1 =	vadd.f32 v1, v2;
	_ =	sdelay $0x1  }
0xfe: {  	v1 =	vadd.f32 v3, v1;
	_ =	sdelay $0x1  }
0xff: {  	[tilespmem:s31+$0x6120] =	vst v1  }
0x100: {  	v1 =	vld.idx.msk [tilespmem:v0+s0+$0x30 ss:$0x1], $0xffff  }
0x101: {  	v2 =	vld [tilespmem:$0x6030];
	_ =	sdelay $0x1  }
0x102: {  	v3 =	vld [tilespmem:s24+$0x3030];
	_ =	sdelay $0x2  }
0x103: {  	v1 =	vadd.f32 v1, v2;
	_ =	sdelay $0x1  }
0x104: {  	v1 =	vadd.f32 v3, v1;
	_ =	sdelay $0x1  }
0x105: {  	[tilespmem:s31+$0x6130] =	vst v1  }
0x106: {  	v1 =	vld.idx.msk [tilespmem:v0+s0+$0x40 ss:$0x1], $0xffff  }
0x107: {  	v2 =	vld [tilespmem:$0x6040];
	_ =	sdelay $0x1  }
0x108: {  	v3 =	vld [tilespmem:s24+$0x3040];
	_ =	sdelay $0x2  }
0x109: {  	v1 =	vadd.f32 v1, v2;
	_ =	sdelay $0x1  }
0x10a: {  	v1 =	vadd.f32 v3, v1;
	_ =	sdelay $0x1  }
0x10b: {  	[tilespmem:s31+$0x6140] =	vst v1  }
0x10c: {  	v1 =	vld.idx.msk [tilespmem:v0+s0+$0x50 ss:$0x1], $0xffff  }
0x10d: {  	v2 =	vld [tilespmem:$0x6050];
	_ =	sdelay $0x1  }
0x10e: {  	v3 =	vld [tilespmem:s24+$0x3050];
	_ =	sdelay $0x2  }
0x10f: {  	v1 =	vadd.f32 v1, v2;
	_ =	sdelay $0x1  }
0x110: {  	v1 =	vadd.f32 v3, v1;
	_ =	sdelay $0x1  }
0x111: {  	[tilespmem:s31+$0x6150] =	vst v1  }
0x112: {  	v1 =	vld.idx.msk [tilespmem:v0+s0+$0x60 ss:$0x1], $0xffff  }
0x113: {  	v2 =	vld [tilespmem:$0x6060];
	_ =	sdelay $0x1  }
0x114: {  	v3 =	vld [tilespmem:s24+$0x3060];
	_ =	sdelay $0x2  }
0x115: {  	v1 =	vadd.f32 v1, v2;
	_ =	sdelay $0x1  }
0x116: {  	v1 =	vadd.f32 v3, v1;
	_ =	sdelay $0x1  }
0x117: {  	[tilespmem:s31+$0x6160] =	vst v1  }
0x118: {  	v1 =	vld.idx.msk [tilespmem:v0+s0+$0x70 ss:$0x1], $0xffff  }
0x119: {  	v2 =	vld [tilespmem:$0x6070];
	_ =	sdelay $0x1  }
0x11a: {  	v3 =	vld [tilespmem:s24+$0x3070];
	_ =	sdelay $0x2  }
0x11b: {  	v1 =	vadd.f32 v1, v2;
	_ =	sdelay $0x1  }
0x11c: {  	v1 =	vadd.f32 v3, v1;
	_ =	sdelay $0x1  }
0x11d: {  	[tilespmem:s31+$0x6170] =	vst v1  }
0x11e: {  	v1 =	vld.idx.msk [tilespmem:v0+s0+$0x400 ss:$0x1], $0xffff  }
0x11f: {  	v2 =	vld [tilespmem:$0x6080];
	_ =	sdelay $0x1  }
0x120: {  	v3 =	vld [tilespmem:s24+$0x3400];
	_ =	sdelay $0x2  }
0x121: {  	v1 =	vadd.f32 v1, v2;
	_ =	sdelay $0x1  }
0x122: {  	v1 =	vadd.f32 v3, v1;
	_ =	sdelay $0x1  }
0x123: {  	[tilespmem:s31+$0x6500] =	vst v1  }
0x124: {  	v1 =	vld.idx.msk [tilespmem:v0+s0+$0x410 ss:$0x1], $0xffff  }
0x125: {  	v2 =	vld [tilespmem:$0x6090];
	_ =	sdelay $0x1  }
0x126: {  	v3 =	vld [tilespmem:s24+$0x3410];
	_ =	sdelay $0x2  }
0x127: {  	v1 =	vadd.f32 v1, v2;
	_ =	sdelay $0x1  }
0x128: {  	v1 =	vadd.f32 v3, v1;
	_ =	sdelay $0x1  }
0x129: {  	[tilespmem:s31+$0x6510] =	vst v1  }
0x12a: {  	v1 =	vld.idx.msk [tilespmem:v0+s0+$0x420 ss:$0x1], $0xffff  }
0x12b: {  	v2 =	vld [tilespmem:$0x60A0];
	_ =	sdelay $0x1  }
0x12c: {  	v3 =	vld [tilespmem:s24+$0x3420];
	_ =	sdelay $0x2  }
0x12d: {  	v1 =	vadd.f32 v1, v2;
	_ =	sdelay $0x1  }
0x12e: {  	v1 =	vadd.f32 v3, v1;
	_ =	sdelay $0x1  }
0x12f: {  	[tilespmem:s31+$0x6520] =	vst v1  }
0x130: {  	v1 =	vld.idx.msk [tilespmem:v0+s0+$0x430 ss:$0x1], $0xffff  }
0x131: {  	v2 =	vld [tilespmem:$0x60B0];
	_ =	sdelay $0x1  }
0x132: {  	v3 =	vld [tilespmem:s24+$0x3430];
	_ =	sdelay $0x2  }
0x133: {  	v1 =	vadd.f32 v1, v2;
	_ =	sdelay $0x1  }
0x134: {  	v1 =	vadd.f32 v3, v1;
	_ =	sdelay $0x1  }
0x135: {  	[tilespmem:s31+$0x6530] =	vst v1  }
0x136: {  	v1 =	vld.idx.msk [tilespmem:v0+s0+$0x440 ss:$0x1], $0xffff  }
0x137: {  	v2 =	vld [tilespmem:$0x60C0];
	_ =	sdelay $0x1  }
0x138: {  	v3 =	vld [tilespmem:s24+$0x3440];
	_ =	sdelay $0x2  }
0x139: {  	v1 =	vadd.f32 v1, v2;
	_ =	sdelay $0x1  }
0x13a: {  	v1 =	vadd.f32 v3, v1;
	_ =	sdelay $0x1  }
0x13b: {  	[tilespmem:s31+$0x6540] =	vst v1  }
0x13c: {  	v1 =	vld.idx.msk [tilespmem:v0+s0+$0x450 ss:$0x1], $0xffff  }
0x13d: {  	v2 =	vld [tilespmem:$0x60D0];
	_ =	sdelay $0x1  }
0x13e: {  	v3 =	vld [tilespmem:s24+$0x3450];
	_ =	sdelay $0x2  }
0x13f: {  	v1 =	vadd.f32 v1, v2;
	_ =	sdelay $0x1  }
0x140: {  	v1 =	vadd.f32 v3, v1;
	_ =	sdelay $0x1  }
0x141: {  	[tilespmem:s31+$0x6550] =	vst v1  }
0x142: {  	v1 =	vld.idx.msk [tilespmem:v0+s0+$0x460 ss:$0x1], $0xffff  }
0x143: {  	v2 =	vld [tilespmem:$0x60E0];
	_ =	sdelay $0x1  }
0x144: {  	v3 =	vld [tilespmem:s24+$0x3460];
	_ =	sdelay $0x2  }
0x145: {  	v1 =	vadd.f32 v1, v2;
	_ =	sdelay $0x1  }
0x146: {  	v1 =	vadd.f32 v3, v1;
	_ =	sdelay $0x1  }
0x147: {  	[tilespmem:s31+$0x6560] =	vst v1  }
0x148: {  	v0 =	vld.idx.msk [tilespmem:v0+s0+$0x470 ss:$0x1], $0xffff  }
0x149: {  	v1 =	vld [tilespmem:$0x60F0];
	_ =	sdelay $0x1  }
0x14a: {  	v2 =	vld [tilespmem:s24+$0x3470];
	_ =	sdelay $0x2  }
0x14b: {  	s24 =	smul.u32 $0x6000, s23;
	v0 =	vadd.f32 v0, v1;
	_ =	sdelay $0x1  }
0x14c: {  	s2 =	sadd.s32 s6, s24;
	v0 =	vadd.f32 v2, v0  }
0x14d: {  	s30 =	sadd.s32 s9, s24;
	s0 =	sshrl.u32 s2, $0x3  }
0x14e: {  	s25 =	simm.s32 $0x0;
	s26 =	sshrl.u32 s30, $0x3;
	s14 =	sadd.s32 s1, s0;
	[tilespmem:s31+$0x6570] =	vst v0  }
0x14f: {  	[tilespmem:s18], [sflag:$0x1] =	stream.linear.gather [hbm4b:s14+s25], $0x6000, $0x38;
	[tilespmem:$0x18100] =	vst v63  }
0x150: {  	s2 =	sadd.s32 s1, s26  }
0x151: {  	[tilespmem:s19], [sflag:$0x2] =	stream.linear.gather [hbm4b:s2+s25], $0x6000, $0x38;
	[tilespmem:$0x18100] =	vst v63  }
0x152: {  	_ =	swait.ge [sflag:s20], $0x6000  }
0x153: {  	s31 =	sand.u32 $0x7800, s25;
	s14 =	sand.u32 $0x380, s25;
	[sflag:s20] =	ssyncset.done $0x0  }
0x154: {  	s25 =	sor.u32 s14, s31;
	[sflag:s20] =	ssyncadd.s32 $0xFFFFA000  }
0x155: {  	v7 =	vld [tilespmem:s25+$0x6100]  }
0x156: {  	v8 =	vld [tilespmem:s25+$0x6110]  }
0x157: {  	v9 =	vld [tilespmem:s25+$0x6120]  }
0x158: {  	v10 =	vld [tilespmem:s25+$0x6130]  }
0x159: {  	v11 =	vld [tilespmem:s25+$0x6140]  }
0x15a: {  	v12 =	vld [tilespmem:s25+$0x6150]  }
0x15b: {  	v13 =	vld [tilespmem:s25+$0x6160]  }
0x15c: {  	v14 =	vld [tilespmem:s25+$0x6170]  }
0x15d: {  	v15 =	vld [tilespmem:s25+$0x6500]  }
0x15e: {  	v6 =	vld [tilespmem:s25+$0x6510]  }
0x15f: {  	v5 =	vld [tilespmem:s25+$0x6520]  }
0x160: {  	v4 =	vld [tilespmem:s25+$0x6530]  }
0x161: {  	v3 =	vld [tilespmem:s25+$0x6540]  }
0x162: {  	v2 =	vld [tilespmem:s25+$0x6550]  }
0x163: {  	v1 =	vld [tilespmem:s25+$0x6560]  }
0x164: {  	v0 =	vld [tilespmem:s25+$0x6570]  }
0x165: {  	v16 =	vld [tilespmem:s25+$0xC100]  }
0x166: {  	v17 =	vld [tilespmem:s25+$0xC110]  }
0x167: {  	v18 =	vld [tilespmem:s25+$0xC120]  }
0x168: {  	v19 =	vld [tilespmem:s25+$0xC130]  }
0x169: {  	v20 =	vld [tilespmem:s25+$0xC140]  }
0x16a: {  	v60 =	vld [tilespmem:s25+$0xC150];
	v7 =	vadd.f32 v7, v16  }
0x16b: {  	v61 =	vld [tilespmem:s25+$0xC160];
	v8 =	vadd.f32 v8, v17  }
0x16c: {  	v62 =	vld [tilespmem:s25+$0xC170];
	[tilespmem:s25+$0xC100] =	vst v7;
	v7 =	vadd.f32 v9, v18  }
0x16d: {  	v63 =	vld [tilespmem:s25+$0xC500];
	[tilespmem:s25+$0xC110] =	vst v8;
	v8 =	vadd.f32 v10, v19  }
0x16e: {  	v10 =	vld [tilespmem:s25+$0xC510];
	[tilespmem:s25+$0xC120] =	vst v7;
	v7 =	vadd.f32 v11, v20  }
0x16f: {  	v9 =	vld [tilespmem:s25+$0xC520];
	[tilespmem:s25+$0xC130] =	vst v8;
	v8 =	vadd.f32 v12, v60  }
0x170: {  	v11 =	vadd.f32 v13, v61;
	[tilespmem:s25+$0xC140] =	vst v7;
	v7 =	vld [tilespmem:s25+$0xC530]  }
0x171: {  	v13 =	vadd.f32 v14, v62;
	[tilespmem:s25+$0xC150] =	vst v8;
	v8 =	vld [tilespmem:s25+$0xC540]  }
0x172: {  	s28 =	simm.s32 $0x80;
	s29 =	simm.s32 $0x100;
	v12 =	vadd.f32 v15, v63;
	[tilespmem:s25+$0xC160] =	vst v11;
	v11 =	vld [tilespmem:s25+$0xC550]  }
.LBB2_5:
0x173: {  	s2 =	sand.u32 $0x7800, s29;
	s14 =	sand.u32 $0x380, s28;
	p0 =	sne.s32 s29, $0x5F00;
	[tilespmem:s25+$0xC170] =	vst v13;
	v6 =	vadd.f32 v6, v10;
	v10 =	vld [tilespmem:s25+$0xC560]  }
0x174: {  	s2 =	sor.u32 s14, s2;
	[tilespmem:s25+$0xC500] =	vst v12;
	v5 =	vadd.f32 v5, v9;
	v9 =	vld [tilespmem:s25+$0xC570]  }
0x175: {  	v12 =	vld [tilespmem:s2+$0x6100];
	[tilespmem:s25+$0xC510] =	vst v6;
	v4 =	vadd.f32 v4, v7  }
0x176: {  	v7 =	vld [tilespmem:s2+$0x6110];
	[tilespmem:s25+$0xC520] =	vst v5;
	v3 =	vadd.f32 v3, v8  }
0x177: {  	v8 =	vld [tilespmem:s2+$0x6120];
	[tilespmem:s25+$0xC530] =	vst v4;
	v2 =	vadd.f32 v2, v11  }
0x178: {  	v11 =	vld [tilespmem:s2+$0x6130];
	[tilespmem:s25+$0xC540] =	vst v3;
	v1 =	vadd.f32 v1, v10  }
0x179: {  	v10 =	vld [tilespmem:s2+$0x6140];
	[tilespmem:s25+$0xC550] =	vst v2;
	v0 =	vadd.f32 v0, v9  }
0x17a: {  	v9 =	vld [tilespmem:s2+$0x6150];
	[tilespmem:s25+$0xC560] =	vst v1  }
0x17b: {  	v13 =	vld [tilespmem:s2+$0x6160];
	[tilespmem:s25+$0xC570] =	vst v0;
	s25 =	smov.u32 s2  }
0x17c: {  	v14 =	vld [tilespmem:s25+$0x6170]  }
0x17d: {  	v15 =	vld [tilespmem:s25+$0x6500]  }
0x17e: {  	v6 =	vld [tilespmem:s25+$0x6510]  }
0x17f: {  	v5 =	vld [tilespmem:s25+$0x6520]  }
0x180: {  	v4 =	vld [tilespmem:s25+$0x6530]  }
0x181: {  	v3 =	vld [tilespmem:s25+$0x6540]  }
0x182: {  	v2 =	vld [tilespmem:s25+$0x6550]  }
0x183: {  	v1 =	vld [tilespmem:s25+$0x6560]  }
0x184: {  	v0 =	vld [tilespmem:s25+$0x6570]  }
0x185: {  	v16 =	vld [tilespmem:s25+$0xC100]  }
0x186: {  	v17 =	vld [tilespmem:s25+$0xC110]  }
0x187: {  	v18 =	vld [tilespmem:s25+$0xC120]  }
0x188: {  	v19 =	vld [tilespmem:s25+$0xC130]  }
0x189: {  	v20 =	vld [tilespmem:s25+$0xC140]  }
0x18a: {  	v12 =	vadd.f32 v12, v16;
	v16 =	vld [tilespmem:s25+$0xC150]  }
0x18b: {  	v7 =	vadd.f32 v7, v17;
	v17 =	vld [tilespmem:s25+$0xC160]  }
0x18c: {  	[tilespmem:s25+$0xC100] =	vst v12;
	v8 =	vadd.f32 v8, v18;
	v12 =	vld [tilespmem:s25+$0xC170]  }
0x18d: {  	[tilespmem:s25+$0xC110] =	vst v7;
	v7 =	vadd.f32 v11, v19;
	v11 =	vld [tilespmem:s25+$0xC500]  }
.Ltmp1:
0x18e: {  	[tilespmem:s25+$0xC120] =	vst v8;
	v8 =	vadd.f32 v10, v20;
	v10 =	vld [tilespmem:s25+$0xC510];
	(pc) =	sbr.rel @p0 .LBB2_5-.Ltmp1, $4  }
0x18f: {  	[tilespmem:s25+$0xC130] =	vst v7;
	v16 =	vadd.f32 v9, v16;
	v9 =	vld [tilespmem:s25+$0xC520]  }
0x190: {  	[tilespmem:s25+$0xC140] =	vst v8;
	v17 =	vadd.f32 v13, v17;
	v7 =	vld [tilespmem:s25+$0xC530]  }
0x191: {  	[tilespmem:s25+$0xC150] =	vst v16;
	v13 =	vadd.f32 v14, v12;
	v8 =	vld [tilespmem:s25+$0xC540]  }
0x192: {  	s28 =	sadd.s32 $0x80, s28;
	s29 =	sadd.s32 $0x100, s29;
	[tilespmem:s25+$0xC160] =	vst v17;
	v12 =	vadd.f32 v15, v11;
	v11 =	vld [tilespmem:s25+$0xC550]  }
0x193: {  	[tilespmem:s25+$0xC170] =	vst v13;
	v6 =	vadd.f32 v6, v10;
	v10 =	vld [tilespmem:s25+$0xC560]  }
0x194: {  	[tilespmem:s25+$0xC500] =	vst v12;
	v5 =	vadd.f32 v5, v9;
	v9 =	vld [tilespmem:s25+$0xC570]  }
0x195: {  	[tilespmem:s25+$0xC510] =	vst v6;
	v4 =	vadd.f32 v4, v7  }
0x196: {  	[tilespmem:s25+$0xC520] =	vst v5;
	v3 =	vadd.f32 v3, v8  }
0x197: {  	[tilespmem:s25+$0xC530] =	vst v4;
	v2 =	vadd.f32 v2, v11  }
0x198: {  	[tilespmem:s25+$0xC540] =	vst v3;
	v1 =	vadd.f32 v1, v10  }
0x199: {  	[tilespmem:s25+$0xC550] =	vst v2;
	v0 =	vadd.f32 v0, v9  }
0x19a: {  	[tilespmem:s25+$0xC560] =	vst v1  }
0x19b: {  	s0 =	sadd.s32 s3, s0;
	s2 =	simm.s32 $0x0;
	[tilespmem:s25+$0xC570] =	vst v0  }
0x19c: {  	[hbm4b:s0+s2] =	stream.linear.scatter [tilespmem:s18], [sflag:$0x3], $0x6000, $0x38;
	[tilespmem:$0x18100] =	vst v63  }
0x19d: {  	s30 =	sadd.s32 s10, s24;
	_ =	swait.ge [sflag:s13], $0x6000  }
0x19e: {  	s25 =	sshrl.u32 s30, $0x3;
	[sflag:s13] =	ssyncset.done $0x0  }
0x19f: {  	s0 =	sadd.s32 s1, s25;
	[sflag:s13] =	ssyncadd.s32 $0xFFFFA000  }
0x1a0: {  	[tilespmem:s18], [sflag:$0x1] =	stream.linear.gather [hbm4b:s0+s2], $0x6000, $0x38;
	[tilespmem:$0x18100] =	vst v63  }
0x1a1: {  	_ =	swait.ge [sflag:s21], $0x6000  }
0x1a2: {  	s31 =	sand.u32 $0x7800, s2;
	s2 =	sand.u32 $0x380, s2;
	[sflag:s21] =	ssyncset.done $0x0  }
0x1a3: {  	s0 =	sor.u32 s2, s31;
	[sflag:s21] =	ssyncadd.s32 $0xFFFFA000  }
0x1a4: {  	v7 =	vld [tilespmem:s0+$0x6100]  }
0x1a5: {  	v8 =	vld [tilespmem:s0+$0x6110]  }
0x1a6: {  	v9 =	vld [tilespmem:s0+$0x6120]  }
0x1a7: {  	v10 =	vld [tilespmem:s0+$0x6130]  }
0x1a8: {  	v11 =	vld [tilespmem:s0+$0x6140]  }
0x1a9: {  	v12 =	vld [tilespmem:s0+$0x6150]  }
0x1aa: {  	v13 =	vld [tilespmem:s0+$0x6160]  }
0x1ab: {  	v14 =	vld [tilespmem:s0+$0x6170]  }
0x1ac: {  	v15 =	vld [tilespmem:s0+$0x6500]  }
0x1ad: {  	v6 =	vld [tilespmem:s0+$0x6510]  }
0x1ae: {  	v5 =	vld [tilespmem:s0+$0x6520]  }
0x1af: {  	v4 =	vld [tilespmem:s0+$0x6530]  }
0x1b0: {  	v3 =	vld [tilespmem:s0+$0x6540]  }
0x1b1: {  	v2 =	vld [tilespmem:s0+$0x6550]  }
0x1b2: {  	v1 =	vld [tilespmem:s0+$0x6560]  }
0x1b3: {  	v0 =	vld [tilespmem:s0+$0x6570]  }
0x1b4: {  	v16 =	vld [tilespmem:s0+$0x12100]  }
0x1b5: {  	v17 =	vld [tilespmem:s0+$0x12110]  }
0x1b6: {  	v18 =	vld [tilespmem:s0+$0x12120]  }
0x1b7: {  	v19 =	vld [tilespmem:s0+$0x12130]  }
0x1b8: {  	v20 =	vld [tilespmem:s0+$0x12140]  }
0x1b9: {  	v60 =	vld [tilespmem:s0+$0x12150];
	v7 =	vadd.f32 v7, v16  }
0x1ba: {  	v61 =	vld [tilespmem:s0+$0x12160];
	v8 =	vadd.f32 v8, v17  }
0x1bb: {  	v62 =	vld [tilespmem:s0+$0x12170];
	[tilespmem:s0+$0x12100] =	vst v7;
	v7 =	vadd.f32 v9, v18  }
0x1bc: {  	v63 =	vld [tilespmem:s0+$0x12500];
	[tilespmem:s0+$0x12110] =	vst v8;
	v8 =	vadd.f32 v10, v19  }
0x1bd: {  	v10 =	vld [tilespmem:s0+$0x12510];
	[tilespmem:s0+$0x12120] =	vst v7;
	v7 =	vadd.f32 v11, v20  }
0x1be: {  	v9 =	vld [tilespmem:s0+$0x12520];
	[tilespmem:s0+$0x12130] =	vst v8;
	v8 =	vadd.f32 v12, v60  }
0x1bf: {  	v11 =	vadd.f32 v13, v61;
	[tilespmem:s0+$0x12140] =	vst v7;
	v7 =	vld [tilespmem:s0+$0x12530]  }
0x1c0: {  	v13 =	vadd.f32 v14, v62;
	[tilespmem:s0+$0x12150] =	vst v8;
	v8 =	vld [tilespmem:s0+$0x12540]  }
0x1c1: {  	s28 =	simm.s32 $0x80;
	s29 =	simm.s32 $0x100;
	v12 =	vadd.f32 v15, v63;
	[tilespmem:s0+$0x12160] =	vst v11;
	v11 =	vld [tilespmem:s0+$0x12550]  }
.LBB2_7:
0x1c2: {  	s2 =	sand.u32 $0x7800, s29;
	s14 =	sand.u32 $0x380, s28;
	p0 =	sne.s32 s29, $0x5F00;
	[tilespmem:s0+$0x12170] =	vst v13;
	v6 =	vadd.f32 v6, v10;
	v10 =	vld [tilespmem:s0+$0x12560]  }
0x1c3: {  	s2 =	sor.u32 s14, s2;
	[tilespmem:s0+$0x12500] =	vst v12;
	v5 =	vadd.f32 v5, v9;
	v9 =	vld [tilespmem:s0+$0x12570]  }
0x1c4: {  	v12 =	vld [tilespmem:s2+$0x6100];
	[tilespmem:s0+$0x12510] =	vst v6;
	v4 =	vadd.f32 v4, v7  }
0x1c5: {  	v7 =	vld [tilespmem:s2+$0x6110];
	[tilespmem:s0+$0x12520] =	vst v5;
	v3 =	vadd.f32 v3, v8  }
0x1c6: {  	v8 =	vld [tilespmem:s2+$0x6120];
	[tilespmem:s0+$0x12530] =	vst v4;
	v2 =	vadd.f32 v2, v11  }
0x1c7: {  	v11 =	vld [tilespmem:s2+$0x6130];
	[tilespmem:s0+$0x12540] =	vst v3;
	v1 =	vadd.f32 v1, v10  }
0x1c8: {  	v10 =	vld [tilespmem:s2+$0x6140];
	[tilespmem:s0+$0x12550] =	vst v2;
	v0 =	vadd.f32 v0, v9  }
0x1c9: {  	v9 =	vld [tilespmem:s2+$0x6150];
	[tilespmem:s0+$0x12560] =	vst v1  }
0x1ca: {  	v13 =	vld [tilespmem:s2+$0x6160];
	[tilespmem:s0+$0x12570] =	vst v0;
	s0 =	smov.u32 s2  }
0x1cb: {  	v14 =	vld [tilespmem:s0+$0x6170]  }
0x1cc: {  	v15 =	vld [tilespmem:s0+$0x6500]  }
0x1cd: {  	v6 =	vld [tilespmem:s0+$0x6510]  }
0x1ce: {  	v5 =	vld [tilespmem:s0+$0x6520]  }
0x1cf: {  	v4 =	vld [tilespmem:s0+$0x6530]  }
0x1d0: {  	v3 =	vld [tilespmem:s0+$0x6540]  }
0x1d1: {  	v2 =	vld [tilespmem:s0+$0x6550]  }
0x1d2: {  	v1 =	vld [tilespmem:s0+$0x6560]  }
0x1d3: {  	v0 =	vld [tilespmem:s0+$0x6570]  }
0x1d4: {  	v16 =	vld [tilespmem:s0+$0x12100]  }
0x1d5: {  	v17 =	vld [tilespmem:s0+$0x12110]  }
0x1d6: {  	v18 =	vld [tilespmem:s0+$0x12120]  }
0x1d7: {  	v19 =	vld [tilespmem:s0+$0x12130]  }
0x1d8: {  	v20 =	vld [tilespmem:s0+$0x12140]  }
0x1d9: {  	v12 =	vadd.f32 v12, v16;
	v16 =	vld [tilespmem:s0+$0x12150]  }
0x1da: {  	v7 =	vadd.f32 v7, v17;
	v17 =	vld [tilespmem:s0+$0x12160]  }
0x1db: {  	[tilespmem:s0+$0x12100] =	vst v12;
	v8 =	vadd.f32 v8, v18;
	v12 =	vld [tilespmem:s0+$0x12170]  }
0x1dc: {  	[tilespmem:s0+$0x12110] =	vst v7;
	v7 =	vadd.f32 v11, v19;
	v11 =	vld [tilespmem:s0+$0x12500]  }
.Ltmp2:
0x1dd: {  	[tilespmem:s0+$0x12120] =	vst v8;
	v8 =	vadd.f32 v10, v20;
	v10 =	vld [tilespmem:s0+$0x12510];
	(pc) =	sbr.rel @p0 .LBB2_7-.Ltmp2, $4  }
0x1de: {  	[tilespmem:s0+$0x12130] =	vst v7;
	v16 =	vadd.f32 v9, v16;
	v9 =	vld [tilespmem:s0+$0x12520]  }
0x1df: {  	[tilespmem:s0+$0x12140] =	vst v8;
	v17 =	vadd.f32 v13, v17;
	v7 =	vld [tilespmem:s0+$0x12530]  }
0x1e0: {  	[tilespmem:s0+$0x12150] =	vst v16;
	v13 =	vadd.f32 v14, v12;
	v8 =	vld [tilespmem:s0+$0x12540]  }
0x1e1: {  	s28 =	sadd.s32 $0x80, s28;
	s29 =	sadd.s32 $0x100, s29;
	[tilespmem:s0+$0x12160] =	vst v17;
	v12 =	vadd.f32 v15, v11;
	v11 =	vld [tilespmem:s0+$0x12550]  }
0x1e2: {  	[tilespmem:s0+$0x12170] =	vst v13;
	v6 =	vadd.f32 v6, v10;
	v10 =	vld [tilespmem:s0+$0x12560]  }
0x1e3: {  	[tilespmem:s0+$0x12500] =	vst v12;
	v5 =	vadd.f32 v5, v9;
	v9 =	vld [tilespmem:s0+$0x12570]  }
0x1e4: {  	[tilespmem:s0+$0x12510] =	vst v6;
	v4 =	vadd.f32 v4, v7  }
0x1e5: {  	[tilespmem:s0+$0x12520] =	vst v5;
	v3 =	vadd.f32 v3, v8  }
0x1e6: {  	[tilespmem:s0+$0x12530] =	vst v4;
	v2 =	vadd.f32 v2, v11  }
0x1e7: {  	[tilespmem:s0+$0x12540] =	vst v3;
	v1 =	vadd.f32 v1, v10  }
0x1e8: {  	[tilespmem:s0+$0x12550] =	vst v2;
	v0 =	vadd.f32 v0, v9  }
0x1e9: {  	[tilespmem:s0+$0x12560] =	vst v1  }
0x1ea: {  	s29 =	sadd.s32 s3, s26;
	s2 =	simm.s32 $0x0;
	[tilespmem:s0+$0x12570] =	vst v0  }
0x1eb: {  	[hbm4b:s29+s2] =	stream.linear.scatter [tilespmem:s19], [sflag:$0x3], $0x6000, $0x38;
	[tilespmem:$0x18100] =	vst v63  }
0x1ec: {  	s30 =	sadd.s32 s11, s24;
	_ =	swait.ge [sflag:s13], $0x6000  }
0x1ed: {  	s24 =	sshrl.u32 s30, $0x3;
	[sflag:s13] =	ssyncset.done $0x0  }
0x1ee: {  	s0 =	sadd.s32 s1, s24;
	[sflag:s13] =	ssyncadd.s32 $0xFFFFA000  }
0x1ef: {  	[tilespmem:s19], [sflag:$0x2] =	stream.linear.gather [hbm4b:s0+s2], $0x6000, $0x38;
	[tilespmem:$0x18100] =	vst v63  }
0x1f0: {  	_ =	swait.ge [sflag:s20], $0x6000  }
0x1f1: {  	s31 =	sand.u32 $0x7800, s2;
	s2 =	sand.u32 $0x380, s2;
	[sflag:s20] =	ssyncset.done $0x0  }
0x1f2: {  	s0 =	sor.u32 s2, s31;
	[sflag:s20] =	ssyncadd.s32 $0xFFFFA000  }
0x1f3: {  	v7 =	vld [tilespmem:s0+$0x6100]  }
0x1f4: {  	v8 =	vld [tilespmem:s0+$0x6110]  }
0x1f5: {  	v9 =	vld [tilespmem:s0+$0x6120]  }
0x1f6: {  	v10 =	vld [tilespmem:s0+$0x6130]  }
0x1f7: {  	v11 =	vld [tilespmem:s0+$0x6140]  }
0x1f8: {  	v12 =	vld [tilespmem:s0+$0x6150]  }
0x1f9: {  	v13 =	vld [tilespmem:s0+$0x6160]  }
0x1fa: {  	v14 =	vld [tilespmem:s0+$0x6170]  }
0x1fb: {  	v15 =	vld [tilespmem:s0+$0x6500]  }
0x1fc: {  	v6 =	vld [tilespmem:s0+$0x6510]  }
0x1fd: {  	v5 =	vld [tilespmem:s0+$0x6520]  }
0x1fe: {  	v4 =	vld [tilespmem:s0+$0x6530]  }
0x1ff: {  	v3 =	vld [tilespmem:s0+$0x6540]  }
0x200: {  	v2 =	vld [tilespmem:s0+$0x6550]  }
0x201: {  	v1 =	vld [tilespmem:s0+$0x6560]  }
0x202: {  	v0 =	vld [tilespmem:s0+$0x6570]  }
0x203: {  	v16 =	vld [tilespmem:s0+$0xC100]  }
0x204: {  	v17 =	vld [tilespmem:s0+$0xC110]  }
0x205: {  	v18 =	vld [tilespmem:s0+$0xC120]  }
0x206: {  	v19 =	vld [tilespmem:s0+$0xC130]  }
0x207: {  	v20 =	vld [tilespmem:s0+$0xC140]  }
0x208: {  	v60 =	vld [tilespmem:s0+$0xC150];
	v7 =	vadd.f32 v7, v16  }
0x209: {  	v61 =	vld [tilespmem:s0+$0xC160];
	v8 =	vadd.f32 v8, v17  }
0x20a: {  	v62 =	vld [tilespmem:s0+$0xC170];
	[tilespmem:s0+$0xC100] =	vst v7;
	v7 =	vadd.f32 v9, v18  }
0x20b: {  	v63 =	vld [tilespmem:s0+$0xC500];
	[tilespmem:s0+$0xC110] =	vst v8;
	v8 =	vadd.f32 v10, v19  }
0x20c: {  	v10 =	vld [tilespmem:s0+$0xC510];
	[tilespmem:s0+$0xC120] =	vst v7;
	v7 =	vadd.f32 v11, v20  }
0x20d: {  	v9 =	vld [tilespmem:s0+$0xC520];
	[tilespmem:s0+$0xC130] =	vst v8;
	v8 =	vadd.f32 v12, v60  }
0x20e: {  	v11 =	vadd.f32 v13, v61;
	[tilespmem:s0+$0xC140] =	vst v7;
	v7 =	vld [tilespmem:s0+$0xC530]  }
0x20f: {  	v13 =	vadd.f32 v14, v62;
	[tilespmem:s0+$0xC150] =	vst v8;
	v8 =	vld [tilespmem:s0+$0xC540]  }
0x210: {  	s26 =	simm.s32 $0x80;
	s28 =	simm.s32 $0x100;
	v12 =	vadd.f32 v15, v63;
	[tilespmem:s0+$0xC160] =	vst v11;
	v11 =	vld [tilespmem:s0+$0xC550]  }
.LBB2_9:
0x211: {  	s2 =	sand.u32 $0x7800, s28;
	s14 =	sand.u32 $0x380, s26;
	p0 =	sne.s32 s28, $0x5F00;
	[tilespmem:s0+$0xC170] =	vst v13;
	v6 =	vadd.f32 v6, v10;
	v10 =	vld [tilespmem:s0+$0xC560]  }
0x212: {  	s2 =	sor.u32 s14, s2;
	[tilespmem:s0+$0xC500] =	vst v12;
	v5 =	vadd.f32 v5, v9;
	v9 =	vld [tilespmem:s0+$0xC570]  }
0x213: {  	v12 =	vld [tilespmem:s2+$0x6100];
	[tilespmem:s0+$0xC510] =	vst v6;
	v4 =	vadd.f32 v4, v7  }
0x214: {  	v7 =	vld [tilespmem:s2+$0x6110];
	[tilespmem:s0+$0xC520] =	vst v5;
	v3 =	vadd.f32 v3, v8  }
0x215: {  	v8 =	vld [tilespmem:s2+$0x6120];
	[tilespmem:s0+$0xC530] =	vst v4;
	v2 =	vadd.f32 v2, v11  }
0x216: {  	v11 =	vld [tilespmem:s2+$0x6130];
	[tilespmem:s0+$0xC540] =	vst v3;
	v1 =	vadd.f32 v1, v10  }
0x217: {  	v10 =	vld [tilespmem:s2+$0x6140];
	[tilespmem:s0+$0xC550] =	vst v2;
	v0 =	vadd.f32 v0, v9  }
0x218: {  	v9 =	vld [tilespmem:s2+$0x6150];
	[tilespmem:s0+$0xC560] =	vst v1  }
0x219: {  	v13 =	vld [tilespmem:s2+$0x6160];
	[tilespmem:s0+$0xC570] =	vst v0;
	s0 =	smov.u32 s2  }
0x21a: {  	v14 =	vld [tilespmem:s0+$0x6170]  }
0x21b: {  	v15 =	vld [tilespmem:s0+$0x6500]  }
0x21c: {  	v6 =	vld [tilespmem:s0+$0x6510]  }
0x21d: {  	v5 =	vld [tilespmem:s0+$0x6520]  }
0x21e: {  	v4 =	vld [tilespmem:s0+$0x6530]  }
0x21f: {  	v3 =	vld [tilespmem:s0+$0x6540]  }
0x220: {  	v2 =	vld [tilespmem:s0+$0x6550]  }
0x221: {  	v1 =	vld [tilespmem:s0+$0x6560]  }
0x222: {  	v0 =	vld [tilespmem:s0+$0x6570]  }
0x223: {  	v16 =	vld [tilespmem:s0+$0xC100]  }
0x224: {  	v17 =	vld [tilespmem:s0+$0xC110]  }
0x225: {  	v18 =	vld [tilespmem:s0+$0xC120]  }
0x226: {  	v19 =	vld [tilespmem:s0+$0xC130]  }
0x227: {  	v20 =	vld [tilespmem:s0+$0xC140]  }
0x228: {  	v12 =	vadd.f32 v12, v16;
	v16 =	vld [tilespmem:s0+$0xC150]  }
0x229: {  	v7 =	vadd.f32 v7, v17;
	v17 =	vld [tilespmem:s0+$0xC160]  }
0x22a: {  	[tilespmem:s0+$0xC100] =	vst v12;
	v8 =	vadd.f32 v8, v18;
	v12 =	vld [tilespmem:s0+$0xC170]  }
0x22b: {  	[tilespmem:s0+$0xC110] =	vst v7;
	v7 =	vadd.f32 v11, v19;
	v11 =	vld [tilespmem:s0+$0xC500]  }
.Ltmp3:
0x22c: {  	[tilespmem:s0+$0xC120] =	vst v8;
	v8 =	vadd.f32 v10, v20;
	v10 =	vld [tilespmem:s0+$0xC510];
	(pc) =	sbr.rel @p0 .LBB2_9-.Ltmp3, $4  }
0x22d: {  	[tilespmem:s0+$0xC130] =	vst v7;
	v16 =	vadd.f32 v9, v16;
	v9 =	vld [tilespmem:s0+$0xC520]  }
0x22e: {  	[tilespmem:s0+$0xC140] =	vst v8;
	v17 =	vadd.f32 v13, v17;
	v7 =	vld [tilespmem:s0+$0xC530]  }
0x22f: {  	[tilespmem:s0+$0xC150] =	vst v16;
	v13 =	vadd.f32 v14, v12;
	v8 =	vld [tilespmem:s0+$0xC540]  }
0x230: {  	s26 =	sadd.s32 $0x80, s26;
	s28 =	sadd.s32 $0x100, s28;
	[tilespmem:s0+$0xC160] =	vst v17;
	v12 =	vadd.f32 v15, v11;
	v11 =	vld [tilespmem:s0+$0xC550]  }
0x231: {  	[tilespmem:s0+$0xC170] =	vst v13;
	v6 =	vadd.f32 v6, v10;
	v10 =	vld [tilespmem:s0+$0xC560]  }
0x232: {  	[tilespmem:s0+$0xC500] =	vst v12;
	v5 =	vadd.f32 v5, v9;
	v9 =	vld [tilespmem:s0+$0xC570]  }
0x233: {  	[tilespmem:s0+$0xC510] =	vst v6;
	v4 =	vadd.f32 v4, v7  }
0x234: {  	[tilespmem:s0+$0xC520] =	vst v5;
	v3 =	vadd.f32 v3, v8  }
0x235: {  	[tilespmem:s0+$0xC530] =	vst v4;
	v2 =	vadd.f32 v2, v11  }
0x236: {  	[tilespmem:s0+$0xC540] =	vst v3;
	v1 =	vadd.f32 v1, v10  }
0x237: {  	[tilespmem:s0+$0xC550] =	vst v2;
	v0 =	vadd.f32 v0, v9  }
0x238: {  	[tilespmem:s0+$0xC560] =	vst v1  }
0x239: {  	s30 =	sadd.s32 s3, s25;
	s2 =	simm.s32 $0x0;
	[tilespmem:s0+$0xC570] =	vst v0  }
0x23a: {  	[hbm4b:s30+s2] =	stream.linear.scatter [tilespmem:s18], [sflag:$0x3], $0x6000, $0x38;
	[tilespmem:$0x18100] =	vst v63  }
0x23b: {  	_ =	swait.ge [sflag:s13], $0x6000  }
0x23c: {  	[sflag:s13] =	ssyncset.done $0x0  }
0x23d: {  	[sflag:s13] =	ssyncadd.s32 $0xFFFFA000  }
0x23e: {  	_ =	swait.ge [sflag:s21], $0x6000  }
0x23f: {  	s31 =	sand.u32 $0x7800, s2;
	s2 =	sand.u32 $0x380, s2;
	[sflag:s21] =	ssyncset.done $0x0  }
0x240: {  	s0 =	sor.u32 s2, s31;
	[sflag:s21] =	ssyncadd.s32 $0xFFFFA000  }
0x241: {  	v7 =	vld [tilespmem:s0+$0x6100]  }
0x242: {  	v8 =	vld [tilespmem:s0+$0x6110]  }
0x243: {  	v9 =	vld [tilespmem:s0+$0x6120]  }
0x244: {  	v10 =	vld [tilespmem:s0+$0x6130]  }
0x245: {  	v11 =	vld [tilespmem:s0+$0x6140]  }
0x246: {  	v12 =	vld [tilespmem:s0+$0x6150]  }
0x247: {  	v13 =	vld [tilespmem:s0+$0x6160]  }
0x248: {  	v14 =	vld [tilespmem:s0+$0x6170]  }
0x249: {  	v15 =	vld [tilespmem:s0+$0x6500]  }
0x24a: {  	v6 =	vld [tilespmem:s0+$0x6510]  }
0x24b: {  	v5 =	vld [tilespmem:s0+$0x6520]  }
0x24c: {  	v4 =	vld [tilespmem:s0+$0x6530]  }
0x24d: {  	v3 =	vld [tilespmem:s0+$0x6540]  }
0x24e: {  	v2 =	vld [tilespmem:s0+$0x6550]  }
0x24f: {  	v1 =	vld [tilespmem:s0+$0x6560]  }
0x250: {  	v0 =	vld [tilespmem:s0+$0x6570]  }
0x251: {  	v16 =	vld [tilespmem:s0+$0x12100]  }
0x252: {  	v17 =	vld [tilespmem:s0+$0x12110]  }
0x253: {  	v18 =	vld [tilespmem:s0+$0x12120]  }
0x254: {  	v19 =	vld [tilespmem:s0+$0x12130]  }
0x255: {  	v20 =	vld [tilespmem:s0+$0x12140]  }
0x256: {  	v60 =	vld [tilespmem:s0+$0x12150];
	v7 =	vadd.f32 v7, v16  }
0x257: {  	v61 =	vld [tilespmem:s0+$0x12160];
	v8 =	vadd.f32 v8, v17  }
0x258: {  	v62 =	vld [tilespmem:s0+$0x12170];
	[tilespmem:s0+$0x12100] =	vst v7;
	v7 =	vadd.f32 v9, v18  }
0x259: {  	v63 =	vld [tilespmem:s0+$0x12500];
	[tilespmem:s0+$0x12110] =	vst v8;
	v8 =	vadd.f32 v10, v19  }
0x25a: {  	v10 =	vld [tilespmem:s0+$0x12510];
	[tilespmem:s0+$0x12120] =	vst v7;
	v7 =	vadd.f32 v11, v20  }
0x25b: {  	v9 =	vld [tilespmem:s0+$0x12520];
	[tilespmem:s0+$0x12130] =	vst v8;
	v8 =	vadd.f32 v12, v60  }
0x25c: {  	v11 =	vadd.f32 v13, v61;
	[tilespmem:s0+$0x12140] =	vst v7;
	v7 =	vld [tilespmem:s0+$0x12530]  }
0x25d: {  	v13 =	vadd.f32 v14, v62;
	[tilespmem:s0+$0x12150] =	vst v8;
	v8 =	vld [tilespmem:s0+$0x12540]  }
0x25e: {  	s25 =	simm.s32 $0x80;
	s26 =	simm.s32 $0x100;
	v12 =	vadd.f32 v15, v63;
	[tilespmem:s0+$0x12160] =	vst v11;
	v11 =	vld [tilespmem:s0+$0x12550]  }
.LBB2_11:
0x25f: {  	s2 =	sand.u32 $0x7800, s26;
	s14 =	sand.u32 $0x380, s25;
	p0 =	sne.s32 s26, $0x5F00;
	[tilespmem:s0+$0x12170] =	vst v13;
	v6 =	vadd.f32 v6, v10;
	v10 =	vld [tilespmem:s0+$0x12560]  }
0x260: {  	s2 =	sor.u32 s14, s2;
	[tilespmem:s0+$0x12500] =	vst v12;
	v5 =	vadd.f32 v5, v9;
	v9 =	vld [tilespmem:s0+$0x12570]  }
0x261: {  	v12 =	vld [tilespmem:s2+$0x6100];
	[tilespmem:s0+$0x12510] =	vst v6;
	v4 =	vadd.f32 v4, v7  }
0x262: {  	v7 =	vld [tilespmem:s2+$0x6110];
	[tilespmem:s0+$0x12520] =	vst v5;
	v3 =	vadd.f32 v3, v8  }
0x263: {  	v8 =	vld [tilespmem:s2+$0x6120];
	[tilespmem:s0+$0x12530] =	vst v4;
	v2 =	vadd.f32 v2, v11  }
0x264: {  	v11 =	vld [tilespmem:s2+$0x6130];
	[tilespmem:s0+$0x12540] =	vst v3;
	v1 =	vadd.f32 v1, v10  }
0x265: {  	v10 =	vld [tilespmem:s2+$0x6140];
	[tilespmem:s0+$0x12550] =	vst v2;
	v0 =	vadd.f32 v0, v9  }
0x266: {  	v9 =	vld [tilespmem:s2+$0x6150];
	[tilespmem:s0+$0x12560] =	vst v1  }
0x267: {  	v13 =	vld [tilespmem:s2+$0x6160];
	[tilespmem:s0+$0x12570] =	vst v0;
	s0 =	smov.u32 s2  }
0x268: {  	v14 =	vld [tilespmem:s0+$0x6170]  }
0x269: {  	v15 =	vld [tilespmem:s0+$0x6500]  }
0x26a: {  	v6 =	vld [tilespmem:s0+$0x6510]  }
0x26b: {  	v5 =	vld [tilespmem:s0+$0x6520]  }
0x26c: {  	v4 =	vld [tilespmem:s0+$0x6530]  }
0x26d: {  	v3 =	vld [tilespmem:s0+$0x6540]  }
0x26e: {  	v2 =	vld [tilespmem:s0+$0x6550]  }
0x26f: {  	v1 =	vld [tilespmem:s0+$0x6560]  }
0x270: {  	v0 =	vld [tilespmem:s0+$0x6570]  }
0x271: {  	v16 =	vld [tilespmem:s0+$0x12100]  }
0x272: {  	v17 =	vld [tilespmem:s0+$0x12110]  }
0x273: {  	v18 =	vld [tilespmem:s0+$0x12120]  }
0x274: {  	v19 =	vld [tilespmem:s0+$0x12130]  }
0x275: {  	v20 =	vld [tilespmem:s0+$0x12140]  }
0x276: {  	v12 =	vadd.f32 v12, v16;
	v16 =	vld [tilespmem:s0+$0x12150]  }
0x277: {  	v7 =	vadd.f32 v7, v17;
	v17 =	vld [tilespmem:s0+$0x12160]  }
0x278: {  	[tilespmem:s0+$0x12100] =	vst v12;
	v8 =	vadd.f32 v8, v18;
	v12 =	vld [tilespmem:s0+$0x12170]  }
0x279: {  	[tilespmem:s0+$0x12110] =	vst v7;
	v7 =	vadd.f32 v11, v19;
	v11 =	vld [tilespmem:s0+$0x12500]  }
.Ltmp4:
0x27a: {  	[tilespmem:s0+$0x12120] =	vst v8;
	v8 =	vadd.f32 v10, v20;
	v10 =	vld [tilespmem:s0+$0x12510];
	(pc) =	sbr.rel @p0 .LBB2_11-.Ltmp4, $4  }
0x27b: {  	[tilespmem:s0+$0x12130] =	vst v7;
	v16 =	vadd.f32 v9, v16;
	v9 =	vld [tilespmem:s0+$0x12520]  }
0x27c: {  	[tilespmem:s0+$0x12140] =	vst v8;
	v17 =	vadd.f32 v13, v17;
	v7 =	vld [tilespmem:s0+$0x12530]  }
0x27d: {  	[tilespmem:s0+$0x12150] =	vst v16;
	v13 =	vadd.f32 v14, v12;
	v8 =	vld [tilespmem:s0+$0x12540]  }
0x27e: {  	s25 =	sadd.s32 $0x80, s25;
	s26 =	sadd.s32 $0x100, s26;
	[tilespmem:s0+$0x12160] =	vst v17;
	v12 =	vadd.f32 v15, v11;
	v11 =	vld [tilespmem:s0+$0x12550]  }
0x27f: {  	[tilespmem:s0+$0x12170] =	vst v13;
	v6 =	vadd.f32 v6, v10;
	v62 =	vld [tilespmem:s0+$0x12560]  }
0x280: {  	v63 =	vld [tilespmem:s0+$0x12570];
	[tilespmem:s0+$0x12500] =	vst v12;
	v5 =	vadd.f32 v5, v9  }
0x281: {  	[tilespmem:s0+$0x12510] =	vst v6;
	v4 =	vadd.f32 v4, v7  }
0x282: {  	[tilespmem:s0+$0x12520] =	vst v5;
	v3 =	vadd.f32 v3, v8  }
0x283: {  	[tilespmem:s0+$0x12530] =	vst v4;
	v2 =	vadd.f32 v2, v11  }
0x284: {  	[tilespmem:s0+$0x12540] =	vst v3;
	v1 =	vadd.f32 v1, v62  }
0x285: {  	s23 =	sadd.s32 $0x1, s23;
	v0 =	vadd.f32 v0, v63;
	[tilespmem:s0+$0x12550] =	vst v2  }
0x286: {  	p0 =	sne.s32 s23, $0x18;
	[tilespmem:s0+$0x12560] =	vst v1  }
.Ltmp5:
0x287: {  	s31 =	sadd.s32 s3, s24;
	[tilespmem:s0+$0x12570] =	vst v0;
	(pc) =	sbr.rel @p0 .LBB2_2-.Ltmp5, $4  }
0x288: {  	[hbm4b:s31+s4] =	stream.linear.scatter [tilespmem:s19], [sflag:$0x3], $0x6000, $0x38;
	[tilespmem:$0x18100] =	vst v63  }
0x289: {  	_ =	swait.ge [sflag:s13], $0x6000  }
0x28a: {  	[sflag:s13] =	ssyncset.done $0x0  }
0x28b: {  	[sflag:s13] =	ssyncadd.s32 $0xFFFFA000  }
0x28c: {  	s22 =	sadd.s32 $0x1, s22  }
0x28d: {  	p0 =	sne.s32 s22, s12  }
.Ltmp6:
0x28e: {  	_ = 	snop;
	(pc) =	sbr.rel @p0 .LBB2_1-.Ltmp6, $1  }
0x28f: {  	_ =	sdelay $0x3  }
0x290: {  	_ =	sfence.sel $0x180000  }
0x291: {  	[bflag:$0x0] =	sbarrier.arrive $0xFFFF  }
0x292: {  	_ =	strace $0x90000047  }
0x293: {  	s0 =	stileid.u32;
	[bflag:$0x2] =	sbarrier.arrive $0xFFFF  }
0x294: {  	p0 =	sne.s32 s0, $0x0;
	s0 =	rddreg [dreg:$0x3]  }
0x295: {  	s0 =	sadd.s32 @!p0 $0x100000, s0  }
0x296: {  	[sflag:s0] =	ssyncadd.tile.s32 @!p0 $0x1;
	_ =	shalt  }
.Lfunc_end2:
_tile_overlayer_lowered:
.L_overlay_start_2:
0x297: {  	(tag) =	ssettag $0x2  }
0x298: {  	s0 =	rddreg [dreg:$0x0];
	s2 =	stileid.u32  }
0x299: {  	s1 =	rddreg [dreg:$0x1];
	p0 =	sne.s32 s2, $0x0  }
0x29a: {  	s3 =	rddreg [dreg:$0x2];
	[bflag:$0x3] =	sbarrier.arrive $0xFFFF;
	s2 =	simm.s32 @!p0 $0x1C03  }
0x29b: {  	[timem:s3], [sflag:s2] =	dma.local @!p0 [hbm:s0], s1  }
0x29c: {  	s0 =	simm.s32 @!p0 $0x3  }
0x29d: {  	_ =	swait.ge @!p0 [sflag:s0], s1  }
0x29e: {  	s1 =	ssub.s32 @!p0 $0x0, s1;
	[sflag:s0] =	ssyncset.done @!p0 $0x0  }
0x29f: {  	[sflag:s0] =	ssyncadd.s32 @!p0 s1  }
0x2a0: {  	[bflag:$0x3] =	sbarrier.arrive $0xFFFF  }
0x2a1: {  	_ =	shalt  }

</sc_bundles>
